<compile_context>
chip_gen: v7x
topology: tpu7x:2x2x1
jax: 0.10.2.dev20260603
libtpu: 0.0.44.dev20260713+nightly
codegen_flags: <defaults>
</compile_context>

<pallas_src>
import functools

import jax
import jax.numpy as jnp
from jax import lax
from jax.experimental import pallas as pl
from jax.experimental.pallas import tpu as pltpu
from jax.experimental.pallas import tpu_sc as plsc

_NC, _NS = 2, 16
_NW = _NC * _NS
_CHUNK = 128
_BLK = 4096


def _make_sc_gather(n_pad: int, emb: int, n_chunks: int):
    b_per_w = n_chunks * _CHUNK
    mesh = plsc.VectorSubcoreMesh(
        core_axis_name="c", subcore_axis_name="s",
        num_cores=_NC, num_subcores=_NS,
    )

    pack_rows = b_per_w * emb // 128

    @functools.partial(
        pl.kernel,
        mesh=mesh,
        compiler_params=pltpu.CompilerParams(use_tc_tiling_on_sc=False),
        out_type=jax.ShapeDtypeStruct((n_pad, emb), jnp.float32),
        scratch_types=[
            pltpu.VMEM((b_per_w,), jnp.int32),
            pltpu.VMEM((b_per_w, emb), jnp.float32),
            pltpu.SemaphoreType.DMA,
        ],
    )
    def gather(idx_hbm, table_hbm, out_hbm, idx_v, rows_v, sem):
        wid = lax.axis_index("s") * _NC + lax.axis_index("c")
        pltpu.sync_copy(idx_hbm.at[pl.ds(wid * b_per_w, b_per_w)], idx_v)

        def body(j, carry):
            pltpu.async_copy(
                table_hbm.at[idx_v.at[pl.ds(j * _CHUNK, _CHUNK)]],
                rows_v.at[pl.ds(j * _CHUNK, _CHUNK)],
                sem,
            )
            return carry

        lax.fori_loop(0, n_chunks, body, 0)
        out_slice = out_hbm.at[pl.ds(wid * b_per_w, b_per_w)]
        pltpu.make_async_copy(out_slice, rows_v, sem).wait()
        pltpu.sync_copy(rows_v, out_slice)

    return gather


_DN0 = (((0,), (0,)), ((), ()))
_DN1 = (((0,), (1,)), ((), ()))


def _tc_body(e_ref, f_ref, d_ref, c_ref, we_ref, wf_ref, wd_ref, wc_ref,
             b_ref, g_ref, bet_ref, out_ref):
    h = lax.dot_general(wf_ref[...], f_ref[...], _DN0,
                        preferred_element_type=jnp.float32)
    h = h + lax.dot_general(wd_ref[...], d_ref[...], _DN0,
                            preferred_element_type=jnp.float32)
    h = h + lax.dot_general(wc_ref[...], c_ref[...], _DN0,
                            preferred_element_type=jnp.float32)
    e4 = e_ref[...]
    ne = we_ref.shape[0]
    h_e = jnp.concatenate(
        [lax.dot_general(we_ref[...],
                         lax.slice(e4, (0, a * ne), (e4.shape[0], (a + 1) * ne)),
                         _DN1, preferred_element_type=jnp.float32)
         for a in range(4)],
        axis=1)
    h = h + h_e
    h = h + b_ref[...]
    h = h * (1.0 / (1.0 + jnp.exp(-h)))
    mu = jnp.mean(h, axis=0, keepdims=True)
    hc = h - mu
    var = jnp.mean(hc * hc, axis=0, keepdims=True)
    out_ref[...] = hc * lax.rsqrt(var + 1e-5) * g_ref[...] + bet_ref[...]


def _sc_gather(oc, table, n_pad, n_chunks):
    return _make_sc_gather(n_pad, table.shape[1], n_chunks)(oc, table)


def _tc_body_carry(e_ref, f_ref, d_ref, c_ref, we_ref, wf_ref, wd_ref,
                   wc_ref, b_ref, g_ref, bet_ref, carry_ref, out_ref):
    del carry_ref
    _tc_body(e_ref, f_ref, d_ref, c_ref, we_ref, wf_ref, wd_ref, wc_ref,
             b_ref, g_ref, bet_ref, out_ref)


def kernel(op_code, features, configs, dim_features, table, W, b, gamma, beta):
    n = features.shape[0]
    ne = table.shape[1]
    nf = features.shape[1]
    nd = dim_features.shape[1]
    ncf = configs.shape[1]
    out_ch = W.shape[1]

    quant = max(_NW * _CHUNK, _BLK)
    n_pad = -(-n // quant) * quant
    n_chunks = n_pad // (_NW * _CHUNK)
    oc = op_code.reshape(-1).astype(jnp.int32)
    oc = jnp.concatenate([oc, jnp.zeros((n_pad - n,), jnp.int32)])

    s = jnp.arange(n_pad, dtype=jnp.int32)
    i = s // _BLK
    t = s % _BLK
    r = i * _BLK + (t % 4) * (_BLK // 4) + t // 4
    oc_perm = oc[r]

    w_e = W[:ne]
    w_f = W[ne:ne + nf]
    w_d = W[ne + nf:ne + nf + nd]
    w_c = W[ne + nf + nd:]

    f_t = features.T
    d_t = dim_features.T
    c_t = configs.T
    scalars = (b.reshape(-1, 1), gamma.reshape(-1, 1), beta.reshape(-1, 1))

    n_blocks = -(-n // _BLK)
    g_blocks = n_pad // _BLK
    bounds = [0, 6, 12, 18, g_blocks]

    out_t = None
    for si in range(len(bounds) - 1):
        b0, b1 = bounds[si], bounds[si + 1]
        n_sl = (b1 - b0) * _BLK
        e_s = _sc_gather(oc_perm[b0 * _BLK:b1 * _BLK], table, n_sl,
                         n_sl // (_NW * _CHUNK))
        e_s = e_s.reshape(n_sl * ne // 128, 128)

        tb1 = min(b1, n_blocks)
        col_block = lambda ch, b0=b0: pl.BlockSpec(
            (ch, _BLK), lambda i, b0=b0: (0, b0 + i))
        full = lambda a: pl.BlockSpec(a.shape, lambda i: (0, 0))
        in_specs = [
            pl.BlockSpec((_BLK * ne // 128, 128), lambda i: (i, 0)),
            col_block(nf),
            col_block(nd),
            col_block(ncf),
            full(w_e), full(w_f), full(w_d), full(w_c),
            pl.BlockSpec((out_ch, 1), lambda i: (0, 0)),
            pl.BlockSpec((out_ch, 1), lambda i: (0, 0)),
            pl.BlockSpec((out_ch, 1), lambda i: (0, 0)),
        ]
        args = (e_s, f_t, d_t, c_t, w_e, w_f, w_d, w_c) + scalars
        body = _tc_body
        alias = {}
        if out_t is not None:
            in_specs = in_specs + [pl.BlockSpec(memory_space=pl.ANY)]
            args = args + (out_t,)
            body = _tc_body_carry
            alias = {11: 0}
        out_t = pl.pallas_call(
            body,
            grid=(tb1 - b0,),
            in_specs=in_specs,
            out_specs=pl.BlockSpec((out_ch, _BLK),
                                   lambda i, b0=b0: (0, b0 + i)),
            out_shape=jax.ShapeDtypeStruct((out_ch, n), jnp.float32),
            input_output_aliases=alias,
        )(*args)
    return out_t.T

# --- scband reference (transcript-rebuilt; emitter-appended) ---
"""Pipeline reference for scband-embedding-input-layer-v2-75419625718242 (READ-ONLY COPY).

The authoritative reference and input builder live on the scoring server;
editing this copy changes nothing except your own understanding.
"""

import jax, jax.numpy as jnp
import numpy as np

N = 100000
IN_CH = 140
OUT_CH = 64
EMB = 32
NUM_EMB = 128
N_CFG = 18
N_DIMF = 74
FULL = IN_CH + EMB + N_CFG + N_DIMF  # 264


def setup_inputs(seed: int = 0) -> dict:
    key = jax.random.key(seed)
    ks = jax.random.split(key, 9)
    op_code = jax.random.randint(ks[0], (N, 1), 0, NUM_EMB, dtype=jnp.int32)
    features = jax.random.normal(ks[1], (N, IN_CH), dtype=jnp.float32)
    configs = jax.random.normal(ks[2], (N, N_CFG), dtype=jnp.float32)
    dim_features = jax.random.normal(ks[3], (N, N_DIMF), dtype=jnp.float32)
    # learned parameters
    table = jax.random.normal(ks[4], (NUM_EMB, EMB), dtype=jnp.float32)
    W = jax.random.normal(ks[5], (FULL, OUT_CH), dtype=jnp.float32) * (1.0 / np.sqrt(FULL))
    b = jnp.zeros((OUT_CH,), dtype=jnp.float32)
    gamma = jnp.ones((OUT_CH,), dtype=jnp.float32)
    beta = jnp.zeros((OUT_CH,), dtype=jnp.float32)
    return {
        "op_code": op_code,
        "features": features,
        "configs": configs,
        "dim_features": dim_features,
        "table": table,
        "W": W,
        "b": b,
        "gamma": gamma,
        "beta": beta,
    }


def reference(op_code, features, configs, dim_features, table, W, b, gamma, beta):
    # op_code = torch.squeeze(op_code, dim=-1).long()
    oc = jnp.squeeze(op_code, axis=-1).astype(jnp.int32)
    # embedding lookup (SparseCore gather)
    embedding = jnp.take(table, oc, axis=0)
    # concat order matches torch: [embedding, features, dim_features, configs]
    x = jnp.concatenate([embedding, features, dim_features, configs], axis=-1)
    # Linear
    h = x @ W + b
    # SiLU
    h = h * jax.nn.sigmoid(h)
    # LayerNorm (eps=1e-5, elementwise affine)
    mu = jnp.mean(h, axis=-1, keepdims=True)
    var = jnp.var(h, axis=-1, keepdims=True)
    hn = (h - mu) / jnp.sqrt(var + 1e-5)
    return hn * gamma + beta

if __name__ == "__main__":
    import jax
    _d = setup_inputs()
    print(jax.jit(kernel)(*tuple(_d.values())))

</pallas_src>

<mosaic_0001>
#map = affine_map<(d0, d1) -> (0)>
#map1 = affine_map<(d0, d1) -> (0, 0)>
module attributes {stable_mosaic.version = 14 : i64} {
  func.func @gather(%arg0: i32, %arg1: i32, %arg2: memref<24576xi32, #tpu.memory_space<hbm>>, %arg3: memref<128x32xf32, #tpu.memory_space<hbm>>, %arg4: memref<24576x32xf32, #tpu.memory_space<hbm>>, %arg5: memref<768xi32, #tpu.memory_space<vmem>>, %arg6: memref<768x32xf32, #tpu.memory_space<vmem>>, %arg7: memref<!tpu.dma_semaphore, #tpu.memory_space<semaphore_mem>>) attributes {dimension_semantics = [#tpu.dimension_semantics<core_parallel>, #tpu.dimension_semantics<subcore_parallel>], iteration_bounds = array<i64: 2, 16>, scalar_prefetch = 0 : i64, scratch_operands = 3 : i64, tpu.core_type = #tpu.core_type<sc_vector_subcore>, window_params = [{transform_indices = #map}, {transform_indices = #map1}, {transform_indices = #map1}]} {
    %mul3A = arith.constant 2 : i32
    %mul3A_0 = arith.muli %arg1, %mul3A : i32
    %add3A = arith.addi %mul3A_0, %arg0 : i32
    %mul3A_1 = arith.constant 768 : i32
    %mul3A_2 = arith.muli %add3A, %mul3A_1 : i32
    "tpu.region"() ({
      %run_scoped3A = tpu.sem_alloc : memref<!tpu.dma_semaphore, #tpu.memory_space<semaphore_mem>>
      %dma_start3A = tpu.memref_slice %arg2[%mul3A_2] : memref<24576xi32, #tpu.memory_space<hbm>> -> memref<768xi32, #tpu.memory_space<hbm>>
      %dma_start3A_13 = tpu.memref_slice %arg2[%mul3A_2] : memref<24576xi32, #tpu.memory_space<hbm>> -> memref<768xi32, #tpu.memory_space<hbm>>
      tpu.enqueue_dma source(%dma_start3A_13 : memref<768xi32, #tpu.memory_space<hbm>>) target(%arg5 : memref<768xi32, #tpu.memory_space<vmem>>) target_semaphore(%run_scoped3A : memref<!tpu.dma_semaphore, #tpu.memory_space<semaphore_mem>>)
      %dma_wait3A_14 = tpu.memref_slice %arg2[%mul3A_2] : memref<24576xi32, #tpu.memory_space<hbm>> -> memref<768xi32, #tpu.memory_space<hbm>>
      %dma_wait3A_15 = tpu.memref_slice %arg2[%mul3A_2] : memref<24576xi32, #tpu.memory_space<hbm>> -> memref<768xi32, #tpu.memory_space<hbm>>
      tpu.wait_dma2 semaphore(%run_scoped3A : memref<!tpu.dma_semaphore, #tpu.memory_space<semaphore_mem>>) src(%dma_wait3A_15 : memref<768xi32, #tpu.memory_space<hbm>>) dst(%arg5 : memref<768xi32, #tpu.memory_space<vmem>>)
      tpu.yield
    }) : () -> ()
    %scan3A = arith.constant 0 : i32
    %scan3A_3 = arith.constant 0 : i32
    %scan3A_4 = arith.constant 6 : i32
    %scan3A_5 = arith.addi %scan3A_3, %scan3A_4 : i32
    %scan3A_6 = arith.constant 1 : i32
    scf.for %scan3A_13 = %scan3A_3 to %scan3A_5 step %scan3A_6  : i32 {
      %mul3A_14 = arith.constant 128 : i32
      %mul3A_15 = arith.muli %scan3A_13, %mul3A_14 : i32
      %mul3A_16 = arith.constant 128 : i32
      %mul3A_17 = arith.muli %scan3A_13, %mul3A_16 : i32
      %dma_start3A = arith.constant 0 : i32
      %dma_start3A_18 = tpu.memref_slice %arg6[%mul3A_17, %dma_start3A] : memref<768x32xf32, #tpu.memory_space<vmem>> -> memref<128x32xf32, #tpu.memory_space<vmem>>
      %dma_start3A_19 = tpu.memref_slice %arg5[%mul3A_15] : memref<768xi32, #tpu.memory_space<vmem>> -> memref<128xi32, #tpu.memory_space<vmem>>
      %dma_start3A_20 = arith.constant 0 : i32
      %dma_start3A_21 = arith.constant 0 : i32
      %dma_start3A_22 = tpu.memref_slice %arg3[%dma_start3A_20, %dma_start3A_21] : memref<128x32xf32, #tpu.memory_space<hbm>> -> memref<128x32xf32, #tpu.memory_space<hbm>>
      tpu.enqueue_indirect_dma source(%dma_start3A_22 : memref<128x32xf32, #tpu.memory_space<hbm>>) target(%dma_start3A_18 : memref<128x32xf32, #tpu.memory_space<vmem>>) offsets(%dma_start3A_19 : memref<128xi32, #tpu.memory_space<vmem>>) semaphore(%arg7 : memref<!tpu.dma_semaphore, #tpu.memory_space<semaphore_mem>>)
    }
    %scan3A_7 = arith.constant 6 : i32
    %mul3A_8 = arith.constant 768 : i32
    %mul3A_9 = arith.muli %add3A, %mul3A_8 : i32
    %dma_wait3A = arith.constant 0 : i32
    %dma_wait3A_10 = tpu.memref_slice %arg4[%mul3A_9, %dma_wait3A] : memref<24576x32xf32, #tpu.memory_space<hbm>> -> memref<768x32xf32, #tpu.memory_space<hbm>>
    %dma_wait3A_11 = arith.constant 0 : i32
    %dma_wait3A_12 = tpu.memref_slice %arg4[%mul3A_9, %dma_wait3A_11] : memref<24576x32xf32, #tpu.memory_space<hbm>> -> memref<768x32xf32, #tpu.memory_space<hbm>>
    tpu.wait_dma2 semaphore(%arg7 : memref<!tpu.dma_semaphore, #tpu.memory_space<semaphore_mem>>) src(%dma_wait3A_12 : memref<768x32xf32, #tpu.memory_space<hbm>>) dst(%arg6 : memref<768x32xf32, #tpu.memory_space<vmem>>)
    "tpu.region"() ({
      %run_scoped3A = tpu.sem_alloc : memref<!tpu.dma_semaphore, #tpu.memory_space<semaphore_mem>>
      %dma_start3A = arith.constant 0 : i32
      %dma_start3A_13 = tpu.memref_slice %arg4[%mul3A_9, %dma_start3A] : memref<24576x32xf32, #tpu.memory_space<hbm>> -> memref<768x32xf32, #tpu.memory_space<hbm>>
      %dma_start3A_14 = arith.constant 0 : i32
      %dma_start3A_15 = tpu.memref_slice %arg4[%mul3A_9, %dma_start3A_14] : memref<24576x32xf32, #tpu.memory_space<hbm>> -> memref<768x32xf32, #tpu.memory_space<hbm>>
      tpu.enqueue_dma source(%arg6 : memref<768x32xf32, #tpu.memory_space<vmem>>) target(%dma_start3A_15 : memref<768x32xf32, #tpu.memory_space<hbm>>) target_semaphore(%run_scoped3A : memref<!tpu.dma_semaphore, #tpu.memory_space<semaphore_mem>>)
      %dma_wait3A_16 = arith.constant 0 : i32
      %dma_wait3A_17 = tpu.memref_slice %arg4[%mul3A_9, %dma_wait3A_16] : memref<24576x32xf32, #tpu.memory_space<hbm>> -> memref<768x32xf32, #tpu.memory_space<hbm>>
      %dma_wait3A_18 = arith.constant 0 : i32
      %dma_wait3A_19 = tpu.memref_slice %arg4[%mul3A_9, %dma_wait3A_18] : memref<24576x32xf32, #tpu.memory_space<hbm>> -> memref<768x32xf32, #tpu.memory_space<hbm>>
      tpu.wait_dma2 semaphore(%run_scoped3A : memref<!tpu.dma_semaphore, #tpu.memory_space<semaphore_mem>>) src(%arg6 : memref<768x32xf32, #tpu.memory_space<vmem>>) dst(%dma_wait3A_19 : memref<768x32xf32, #tpu.memory_space<hbm>>)
      tpu.yield
    }) : () -> ()
    return
  }
}

#map = affine_map<(d0, d1) -> (0)>
#map1 = affine_map<(d0, d1) -> (0, 0)>
module attributes {stable_mosaic.version = 14 : i64} {
  func.func @gather(%arg0: i32, %arg1: i32, %arg2: memref<24576xi32, #tpu.memory_space<hbm>>, %arg3: memref<128x32xf32, #tpu.memory_space<hbm>>, %arg4: memref<24576x32xf32, #tpu.memory_space<hbm>>, %arg5: memref<768xi32, #tpu.memory_space<vmem>>, %arg6: memref<768x32xf32, #tpu.memory_space<vmem>>, %arg7: memref<!tpu.dma_semaphore, #tpu.memory_space<semaphore_mem>>) attributes {dimension_semantics = [#tpu.dimension_semantics<core_parallel>, #tpu.dimension_semantics<subcore_parallel>], iteration_bounds = array<i64: 2, 16>, scalar_prefetch = 0 : i64, scratch_operands = 3 : i64, tpu.core_type = #tpu.core_type<sc_vector_subcore>, window_params = [{transform_indices = #map}, {transform_indices = #map1}, {transform_indices = #map1}]} {
    %mul3A = arith.constant 2 : i32
    %mul3A_0 = arith.muli %arg1, %mul3A : i32
    %add3A = arith.addi %mul3A_0, %arg0 : i32
    %mul3A_1 = arith.constant 768 : i32
    %mul3A_2 = arith.muli %add3A, %mul3A_1 : i32
    "tpu.region"() ({
      %run_scoped3A = tpu.sem_alloc : memref<!tpu.dma_semaphore, #tpu.memory_space<semaphore_mem>>
      %dma_start3A = tpu.memref_slice %arg2[%mul3A_2] : memref<24576xi32, #tpu.memory_space<hbm>> -> memref<768xi32, #tpu.memory_space<hbm>>
      %dma_start3A_13 = tpu.memref_slice %arg2[%mul3A_2] : memref<24576xi32, #tpu.memory_space<hbm>> -> memref<768xi32, #tpu.memory_space<hbm>>
      tpu.enqueue_dma source(%dma_start3A_13 : memref<768xi32, #tpu.memory_space<hbm>>) target(%arg5 : memref<768xi32, #tpu.memory_space<vmem>>) target_semaphore(%run_scoped3A : memref<!tpu.dma_semaphore, #tpu.memory_space<semaphore_mem>>)
      %dma_wait3A_14 = tpu.memref_slice %arg2[%mul3A_2] : memref<24576xi32, #tpu.memory_space<hbm>> -> memref<768xi32, #tpu.memory_space<hbm>>
      %dma_wait3A_15 = tpu.memref_slice %arg2[%mul3A_2] : memref<24576xi32, #tpu.memory_space<hbm>> -> memref<768xi32, #tpu.memory_space<hbm>>
      tpu.wait_dma2 semaphore(%run_scoped3A : memref<!tpu.dma_semaphore, #tpu.memory_space<semaphore_mem>>) src(%dma_wait3A_15 : memref<768xi32, #tpu.memory_space<hbm>>) dst(%arg5 : memref<768xi32, #tpu.memory_space<vmem>>)
      tpu.yield
    }) : () -> ()
    %scan3A = arith.constant 0 : i32
    %scan3A_3 = arith.constant 0 : i32
    %scan3A_4 = arith.constant 6 : i32
    %scan3A_5 = arith.addi %scan3A_3, %scan3A_4 : i32
    %scan3A_6 = arith.constant 1 : i32
    scf.for %scan3A_13 = %scan3A_3 to %scan3A_5 step %scan3A_6  : i32 {
      %mul3A_14 = arith.constant 128 : i32
      %mul3A_15 = arith.muli %scan3A_13, %mul3A_14 : i32
      %mul3A_16 = arith.constant 128 : i32
      %mul3A_17 = arith.muli %scan3A_13, %mul3A_16 : i32
      %dma_start3A = arith.constant 0 : i32
      %dma_start3A_18 = tpu.memref_slice %arg6[%mul3A_17, %dma_start3A] : memref<768x32xf32, #tpu.memory_space<vmem>> -> memref<128x32xf32, #tpu.memory_space<vmem>>
      %dma_start3A_19 = tpu.memref_slice %arg5[%mul3A_15] : memref<768xi32, #tpu.memory_space<vmem>> -> memref<128xi32, #tpu.memory_space<vmem>>
      %dma_start3A_20 = arith.constant 0 : i32
      %dma_start3A_21 = arith.constant 0 : i32
      %dma_start3A_22 = tpu.memref_slice %arg3[%dma_start3A_20, %dma_start3A_21] : memref<128x32xf32, #tpu.memory_space<hbm>> -> memref<128x32xf32, #tpu.memory_space<hbm>>
      tpu.enqueue_indirect_dma source(%dma_start3A_22 : memref<128x32xf32, #tpu.memory_space<hbm>>) target(%dma_start3A_18 : memref<128x32xf32, #tpu.memory_space<vmem>>) offsets(%dma_start3A_19 : memref<128xi32, #tpu.memory_space<vmem>>) semaphore(%arg7 : memref<!tpu.dma_semaphore, #tpu.memory_space<semaphore_mem>>)
    }
    %scan3A_7 = arith.constant 6 : i32
    %mul3A_8 = arith.constant 768 : i32
    %mul3A_9 = arith.muli %add3A, %mul3A_8 : i32
    %dma_wait3A = arith.constant 0 : i32
    %dma_wait3A_10 = tpu.memref_slice %arg4[%mul3A_9, %dma_wait3A] : memref<24576x32xf32, #tpu.memory_space<hbm>> -> memref<768x32xf32, #tpu.memory_space<hbm>>
    %dma_wait3A_11 = arith.constant 0 : i32
    %dma_wait3A_12 = tpu.memref_slice %arg4[%mul3A_9, %dma_wait3A_11] : memref<24576x32xf32, #tpu.memory_space<hbm>> -> memref<768x32xf32, #tpu.memory_space<hbm>>
    tpu.wait_dma2 semaphore(%arg7 : memref<!tpu.dma_semaphore, #tpu.memory_space<semaphore_mem>>) src(%dma_wait3A_12 : memref<768x32xf32, #tpu.memory_space<hbm>>) dst(%arg6 : memref<768x32xf32, #tpu.memory_space<vmem>>)
    "tpu.region"() ({
      %run_scoped3A = tpu.sem_alloc : memref<!tpu.dma_semaphore, #tpu.memory_space<semaphore_mem>>
      %dma_start3A = arith.constant 0 : i32
      %dma_start3A_13 = tpu.memref_slice %arg4[%mul3A_9, %dma_start3A] : memref<24576x32xf32, #tpu.memory_space<hbm>> -> memref<768x32xf32, #tpu.memory_space<hbm>>
      %dma_start3A_14 = arith.constant 0 : i32
      %dma_start3A_15 = tpu.memref_slice %arg4[%mul3A_9, %dma_start3A_14] : memref<24576x32xf32, #tpu.memory_space<hbm>> -> memref<768x32xf32, #tpu.memory_space<hbm>>
      tpu.enqueue_dma source(%arg6 : memref<768x32xf32, #tpu.memory_space<vmem>>) target(%dma_start3A_15 : memref<768x32xf32, #tpu.memory_space<hbm>>) target_semaphore(%run_scoped3A : memref<!tpu.dma_semaphore, #tpu.memory_space<semaphore_mem>>)
      %dma_wait3A_16 = arith.constant 0 : i32
      %dma_wait3A_17 = tpu.memref_slice %arg4[%mul3A_9, %dma_wait3A_16] : memref<24576x32xf32, #tpu.memory_space<hbm>> -> memref<768x32xf32, #tpu.memory_space<hbm>>
      %dma_wait3A_18 = arith.constant 0 : i32
      %dma_wait3A_19 = tpu.memref_slice %arg4[%mul3A_9, %dma_wait3A_18] : memref<24576x32xf32, #tpu.memory_space<hbm>> -> memref<768x32xf32, #tpu.memory_space<hbm>>
      tpu.wait_dma2 semaphore(%run_scoped3A : memref<!tpu.dma_semaphore, #tpu.memory_space<semaphore_mem>>) src(%arg6 : memref<768x32xf32, #tpu.memory_space<vmem>>) dst(%dma_wait3A_19 : memref<768x32xf32, #tpu.memory_space<hbm>>)
      tpu.yield
    }) : () -> ()
    return
  }
}

#map = affine_map<(d0, d1) -> (0)>
#map1 = affine_map<(d0, d1) -> (0, 0)>
module attributes {stable_mosaic.version = 14 : i64} {
  func.func @gather(%arg0: i32, %arg1: i32, %arg2: memref<24576xi32, #tpu.memory_space<hbm>>, %arg3: memref<128x32xf32, #tpu.memory_space<hbm>>, %arg4: memref<24576x32xf32, #tpu.memory_space<hbm>>, %arg5: memref<768xi32, #tpu.memory_space<vmem>>, %arg6: memref<768x32xf32, #tpu.memory_space<vmem>>, %arg7: memref<!tpu.dma_semaphore, #tpu.memory_space<semaphore_mem>>) attributes {dimension_semantics = [#tpu.dimension_semantics<core_parallel>, #tpu.dimension_semantics<subcore_parallel>], iteration_bounds = array<i64: 2, 16>, scalar_prefetch = 0 : i64, scratch_operands = 3 : i64, tpu.core_type = #tpu.core_type<sc_vector_subcore>, window_params = [{transform_indices = #map}, {transform_indices = #map1}, {transform_indices = #map1}]} {
    %mul3A = arith.constant 2 : i32
    %mul3A_0 = arith.muli %arg1, %mul3A : i32
    %add3A = arith.addi %mul3A_0, %arg0 : i32
    %mul3A_1 = arith.constant 768 : i32
    %mul3A_2 = arith.muli %add3A, %mul3A_1 : i32
    "tpu.region"() ({
      %run_scoped3A = tpu.sem_alloc : memref<!tpu.dma_semaphore, #tpu.memory_space<semaphore_mem>>
      %dma_start3A = tpu.memref_slice %arg2[%mul3A_2] : memref<24576xi32, #tpu.memory_space<hbm>> -> memref<768xi32, #tpu.memory_space<hbm>>
      %dma_start3A_13 = tpu.memref_slice %arg2[%mul3A_2] : memref<24576xi32, #tpu.memory_space<hbm>> -> memref<768xi32, #tpu.memory_space<hbm>>
      tpu.enqueue_dma source(%dma_start3A_13 : memref<768xi32, #tpu.memory_space<hbm>>) target(%arg5 : memref<768xi32, #tpu.memory_space<vmem>>) target_semaphore(%run_scoped3A : memref<!tpu.dma_semaphore, #tpu.memory_space<semaphore_mem>>)
      %dma_wait3A_14 = tpu.memref_slice %arg2[%mul3A_2] : memref<24576xi32, #tpu.memory_space<hbm>> -> memref<768xi32, #tpu.memory_space<hbm>>
      %dma_wait3A_15 = tpu.memref_slice %arg2[%mul3A_2] : memref<24576xi32, #tpu.memory_space<hbm>> -> memref<768xi32, #tpu.memory_space<hbm>>
      tpu.wait_dma2 semaphore(%run_scoped3A : memref<!tpu.dma_semaphore, #tpu.memory_space<semaphore_mem>>) src(%dma_wait3A_15 : memref<768xi32, #tpu.memory_space<hbm>>) dst(%arg5 : memref<768xi32, #tpu.memory_space<vmem>>)
      tpu.yield
    }) : () -> ()
    %scan3A = arith.constant 0 : i32
    %scan3A_3 = arith.constant 0 : i32
    %scan3A_4 = arith.constant 6 : i32
    %scan3A_5 = arith.addi %scan3A_3, %scan3A_4 : i32
    %scan3A_6 = arith.constant 1 : i32
    scf.for %scan3A_13 = %scan3A_3 to %scan3A_5 step %scan3A_6  : i32 {
      %mul3A_14 = arith.constant 128 : i32
      %mul3A_15 = arith.muli %scan3A_13, %mul3A_14 : i32
      %mul3A_16 = arith.constant 128 : i32
      %mul3A_17 = arith.muli %scan3A_13, %mul3A_16 : i32
      %dma_start3A = arith.constant 0 : i32
      %dma_start3A_18 = tpu.memref_slice %arg6[%mul3A_17, %dma_start3A] : memref<768x32xf32, #tpu.memory_space<vmem>> -> memref<128x32xf32, #tpu.memory_space<vmem>>
      %dma_start3A_19 = tpu.memref_slice %arg5[%mul3A_15] : memref<768xi32, #tpu.memory_space<vmem>> -> memref<128xi32, #tpu.memory_space<vmem>>
      %dma_start3A_20 = arith.constant 0 : i32
      %dma_start3A_21 = arith.constant 0 : i32
      %dma_start3A_22 = tpu.memref_slice %arg3[%dma_start3A_20, %dma_start3A_21] : memref<128x32xf32, #tpu.memory_space<hbm>> -> memref<128x32xf32, #tpu.memory_space<hbm>>
      tpu.enqueue_indirect_dma source(%dma_start3A_22 : memref<128x32xf32, #tpu.memory_space<hbm>>) target(%dma_start3A_18 : memref<128x32xf32, #tpu.memory_space<vmem>>) offsets(%dma_start3A_19 : memref<128xi32, #tpu.memory_space<vmem>>) semaphore(%arg7 : memref<!tpu.dma_semaphore, #tpu.memory_space<semaphore_mem>>)
    }
    %scan3A_7 = arith.constant 6 : i32
    %mul3A_8 = arith.constant 768 : i32
    %mul3A_9 = arith.muli %add3A, %mul3A_8 : i32
    %dma_wait3A = arith.constant 0 : i32
    %dma_wait3A_10 = tpu.memref_slice %arg4[%mul3A_9, %dma_wait3A] : memref<24576x32xf32, #tpu.memory_space<hbm>> -> memref<768x32xf32, #tpu.memory_space<hbm>>
    %dma_wait3A_11 = arith.constant 0 : i32
    %dma_wait3A_12 = tpu.memref_slice %arg4[%mul3A_9, %dma_wait3A_11] : memref<24576x32xf32, #tpu.memory_space<hbm>> -> memref<768x32xf32, #tpu.memory_space<hbm>>
    tpu.wait_dma2 semaphore(%arg7 : memref<!tpu.dma_semaphore, #tpu.memory_space<semaphore_mem>>) src(%dma_wait3A_12 : memref<768x32xf32, #tpu.memory_space<hbm>>) dst(%arg6 : memref<768x32xf32, #tpu.memory_space<vmem>>)
    "tpu.region"() ({
      %run_scoped3A = tpu.sem_alloc : memref<!tpu.dma_semaphore, #tpu.memory_space<semaphore_mem>>
      %dma_start3A = arith.constant 0 : i32
      %dma_start3A_13 = tpu.memref_slice %arg4[%mul3A_9, %dma_start3A] : memref<24576x32xf32, #tpu.memory_space<hbm>> -> memref<768x32xf32, #tpu.memory_space<hbm>>
      %dma_start3A_14 = arith.constant 0 : i32
      %dma_start3A_15 = tpu.memref_slice %arg4[%mul3A_9, %dma_start3A_14] : memref<24576x32xf32, #tpu.memory_space<hbm>> -> memref<768x32xf32, #tpu.memory_space<hbm>>
      tpu.enqueue_dma source(%arg6 : memref<768x32xf32, #tpu.memory_space<vmem>>) target(%dma_start3A_15 : memref<768x32xf32, #tpu.memory_space<hbm>>) target_semaphore(%run_scoped3A : memref<!tpu.dma_semaphore, #tpu.memory_space<semaphore_mem>>)
      %dma_wait3A_16 = arith.constant 0 : i32
      %dma_wait3A_17 = tpu.memref_slice %arg4[%mul3A_9, %dma_wait3A_16] : memref<24576x32xf32, #tpu.memory_space<hbm>> -> memref<768x32xf32, #tpu.memory_space<hbm>>
      %dma_wait3A_18 = arith.constant 0 : i32
      %dma_wait3A_19 = tpu.memref_slice %arg4[%mul3A_9, %dma_wait3A_18] : memref<24576x32xf32, #tpu.memory_space<hbm>> -> memref<768x32xf32, #tpu.memory_space<hbm>>
      tpu.wait_dma2 semaphore(%run_scoped3A : memref<!tpu.dma_semaphore, #tpu.memory_space<semaphore_mem>>) src(%arg6 : memref<768x32xf32, #tpu.memory_space<vmem>>) dst(%dma_wait3A_19 : memref<768x32xf32, #tpu.memory_space<hbm>>)
      tpu.yield
    }) : () -> ()
    return
  }
}

#map = affine_map<(d0, d1) -> (0)>
#map1 = affine_map<(d0, d1) -> (0, 0)>
module attributes {stable_mosaic.version = 14 : i64} {
  func.func @gather(%arg0: i32, %arg1: i32, %arg2: memref<28672xi32, #tpu.memory_space<hbm>>, %arg3: memref<128x32xf32, #tpu.memory_space<hbm>>, %arg4: memref<28672x32xf32, #tpu.memory_space<hbm>>, %arg5: memref<896xi32, #tpu.memory_space<vmem>>, %arg6: memref<896x32xf32, #tpu.memory_space<vmem>>, %arg7: memref<!tpu.dma_semaphore, #tpu.memory_space<semaphore_mem>>) attributes {dimension_semantics = [#tpu.dimension_semantics<core_parallel>, #tpu.dimension_semantics<subcore_parallel>], iteration_bounds = array<i64: 2, 16>, scalar_prefetch = 0 : i64, scratch_operands = 3 : i64, tpu.core_type = #tpu.core_type<sc_vector_subcore>, window_params = [{transform_indices = #map}, {transform_indices = #map1}, {transform_indices = #map1}]} {
    %mul3A = arith.constant 2 : i32
    %mul3A_0 = arith.muli %arg1, %mul3A : i32
    %add3A = arith.addi %mul3A_0, %arg0 : i32
    %mul3A_1 = arith.constant 896 : i32
    %mul3A_2 = arith.muli %add3A, %mul3A_1 : i32
    "tpu.region"() ({
      %run_scoped3A = tpu.sem_alloc : memref<!tpu.dma_semaphore, #tpu.memory_space<semaphore_mem>>
      %dma_start3A = tpu.memref_slice %arg2[%mul3A_2] : memref<28672xi32, #tpu.memory_space<hbm>> -> memref<896xi32, #tpu.memory_space<hbm>>
      %dma_start3A_13 = tpu.memref_slice %arg2[%mul3A_2] : memref<28672xi32, #tpu.memory_space<hbm>> -> memref<896xi32, #tpu.memory_space<hbm>>
      tpu.enqueue_dma source(%dma_start3A_13 : memref<896xi32, #tpu.memory_space<hbm>>) target(%arg5 : memref<896xi32, #tpu.memory_space<vmem>>) target_semaphore(%run_scoped3A : memref<!tpu.dma_semaphore, #tpu.memory_space<semaphore_mem>>)
      %dma_wait3A_14 = tpu.memref_slice %arg2[%mul3A_2] : memref<28672xi32, #tpu.memory_space<hbm>> -> memref<896xi32, #tpu.memory_space<hbm>>
      %dma_wait3A_15 = tpu.memref_slice %arg2[%mul3A_2] : memref<28672xi32, #tpu.memory_space<hbm>> -> memref<896xi32, #tpu.memory_space<hbm>>
      tpu.wait_dma2 semaphore(%run_scoped3A : memref<!tpu.dma_semaphore, #tpu.memory_space<semaphore_mem>>) src(%dma_wait3A_15 : memref<896xi32, #tpu.memory_space<hbm>>) dst(%arg5 : memref<896xi32, #tpu.memory_space<vmem>>)
      tpu.yield
    }) : () -> ()
    %scan3A = arith.constant 0 : i32
    %scan3A_3 = arith.constant 0 : i32
    %scan3A_4 = arith.constant 7 : i32
    %scan3A_5 = arith.addi %scan3A_3, %scan3A_4 : i32
    %scan3A_6 = arith.constant 1 : i32
    scf.for %scan3A_13 = %scan3A_3 to %scan3A_5 step %scan3A_6  : i32 {
      %mul3A_14 = arith.constant 128 : i32
      %mul3A_15 = arith.muli %scan3A_13, %mul3A_14 : i32
      %mul3A_16 = arith.constant 128 : i32
      %mul3A_17 = arith.muli %scan3A_13, %mul3A_16 : i32
      %dma_start3A = arith.constant 0 : i32
      %dma_start3A_18 = tpu.memref_slice %arg6[%mul3A_17, %dma_start3A] : memref<896x32xf32, #tpu.memory_space<vmem>> -> memref<128x32xf32, #tpu.memory_space<vmem>>
      %dma_start3A_19 = tpu.memref_slice %arg5[%mul3A_15] : memref<896xi32, #tpu.memory_space<vmem>> -> memref<128xi32, #tpu.memory_space<vmem>>
      %dma_start3A_20 = arith.constant 0 : i32
      %dma_start3A_21 = arith.constant 0 : i32
      %dma_start3A_22 = tpu.memref_slice %arg3[%dma_start3A_20, %dma_start3A_21] : memref<128x32xf32, #tpu.memory_space<hbm>> -> memref<128x32xf32, #tpu.memory_space<hbm>>
      tpu.enqueue_indirect_dma source(%dma_start3A_22 : memref<128x32xf32, #tpu.memory_space<hbm>>) target(%dma_start3A_18 : memref<128x32xf32, #tpu.memory_space<vmem>>) offsets(%dma_start3A_19 : memref<128xi32, #tpu.memory_space<vmem>>) semaphore(%arg7 : memref<!tpu.dma_semaphore, #tpu.memory_space<semaphore_mem>>)
    }
    %scan3A_7 = arith.constant 7 : i32
    %mul3A_8 = arith.constant 896 : i32
    %mul3A_9 = arith.muli %add3A, %mul3A_8 : i32
    %dma_wait3A = arith.constant 0 : i32
    %dma_wait3A_10 = tpu.memref_slice %arg4[%mul3A_9, %dma_wait3A] : memref<28672x32xf32, #tpu.memory_space<hbm>> -> memref<896x32xf32, #tpu.memory_space<hbm>>
    %dma_wait3A_11 = arith.constant 0 : i32
    %dma_wait3A_12 = tpu.memref_slice %arg4[%mul3A_9, %dma_wait3A_11] : memref<28672x32xf32, #tpu.memory_space<hbm>> -> memref<896x32xf32, #tpu.memory_space<hbm>>
    tpu.wait_dma2 semaphore(%arg7 : memref<!tpu.dma_semaphore, #tpu.memory_space<semaphore_mem>>) src(%dma_wait3A_12 : memref<896x32xf32, #tpu.memory_space<hbm>>) dst(%arg6 : memref<896x32xf32, #tpu.memory_space<vmem>>)
    "tpu.region"() ({
      %run_scoped3A = tpu.sem_alloc : memref<!tpu.dma_semaphore, #tpu.memory_space<semaphore_mem>>
      %dma_start3A = arith.constant 0 : i32
      %dma_start3A_13 = tpu.memref_slice %arg4[%mul3A_9, %dma_start3A] : memref<28672x32xf32, #tpu.memory_space<hbm>> -> memref<896x32xf32, #tpu.memory_space<hbm>>
      %dma_start3A_14 = arith.constant 0 : i32
      %dma_start3A_15 = tpu.memref_slice %arg4[%mul3A_9, %dma_start3A_14] : memref<28672x32xf32, #tpu.memory_space<hbm>> -> memref<896x32xf32, #tpu.memory_space<hbm>>
      tpu.enqueue_dma source(%arg6 : memref<896x32xf32, #tpu.memory_space<vmem>>) target(%dma_start3A_15 : memref<896x32xf32, #tpu.memory_space<hbm>>) target_semaphore(%run_scoped3A : memref<!tpu.dma_semaphore, #tpu.memory_space<semaphore_mem>>)
      %dma_wait3A_16 = arith.constant 0 : i32
      %dma_wait3A_17 = tpu.memref_slice %arg4[%mul3A_9, %dma_wait3A_16] : memref<28672x32xf32, #tpu.memory_space<hbm>> -> memref<896x32xf32, #tpu.memory_space<hbm>>
      %dma_wait3A_18 = arith.constant 0 : i32
      %dma_wait3A_19 = tpu.memref_slice %arg4[%mul3A_9, %dma_wait3A_18] : memref<28672x32xf32, #tpu.memory_space<hbm>> -> memref<896x32xf32, #tpu.memory_space<hbm>>
      tpu.wait_dma2 semaphore(%run_scoped3A : memref<!tpu.dma_semaphore, #tpu.memory_space<semaphore_mem>>) src(%arg6 : memref<896x32xf32, #tpu.memory_space<vmem>>) dst(%dma_wait3A_19 : memref<896x32xf32, #tpu.memory_space<hbm>>)
      tpu.yield
    }) : () -> ()
    return
  }
}

module attributes {stable_mosaic.version = 14 : i64} {
  func.func @_tc_body(%arg0: i32, %arg1: memref<1024x128xf32, #tpu.memory_space<vmem>>, %arg2: memref<140x4096xf32, #tpu.memory_space<vmem>>, %arg3: memref<74x4096xf32, #tpu.memory_space<vmem>>, %arg4: memref<18x4096xf32, #tpu.memory_space<vmem>>, %arg5: memref<32x64xf32, #tpu.memory_space<vmem>>, %arg6: memref<140x64xf32, #tpu.memory_space<vmem>>, %arg7: memref<74x64xf32, #tpu.memory_space<vmem>>, %arg8: memref<18x64xf32, #tpu.memory_space<vmem>>, %arg9: memref<64x1xf32, #tpu.memory_space<vmem>>, %arg10: memref<64x1xf32, #tpu.memory_space<vmem>>, %arg11: memref<64x1xf32, #tpu.memory_space<vmem>>, %arg12: memref<64x4096xf32, #tpu.memory_space<vmem>>) attributes {dimension_semantics = [#tpu.dimension_semantics<arbitrary>], iteration_bounds = array<i64: 6>, scalar_prefetch = 0 : i64, scratch_operands = 0 : i64, tpu.core_type = #tpu.core_type<tc>, window_params = [{transform_indices = @transform_0, window_bounds = array<i64: 1024, 128>}, {transform_indices = @transform_1, window_bounds = array<i64: 140, 4096>}, {transform_indices = @transform_2, window_bounds = array<i64: 74, 4096>}, {transform_indices = @transform_3, window_bounds = array<i64: 18, 4096>}, {pipeline_mode = #tpu.pipeline_mode<synchronous>, transform_indices = @transform_4, window_bounds = array<i64: 32, 64>}, {pipeline_mode = #tpu.pipeline_mode<synchronous>, transform_indices = @transform_5, window_bounds = array<i64: 140, 64>}, {pipeline_mode = #tpu.pipeline_mode<synchronous>, transform_indices = @transform_6, window_bounds = array<i64: 74, 64>}, {pipeline_mode = #tpu.pipeline_mode<synchronous>, transform_indices = @transform_7, window_bounds = array<i64: 18, 64>}, {pipeline_mode = #tpu.pipeline_mode<synchronous>, transform_indices = @transform_8, window_bounds = array<i64: 64, 1>}, {pipeline_mode = #tpu.pipeline_mode<synchronous>, transform_indices = @transform_9, window_bounds = array<i64: 64, 1>}, {pipeline_mode = #tpu.pipeline_mode<synchronous>, transform_indices = @transform_10, window_bounds = array<i64: 64, 1>}, {transform_indices = @transform_11, window_bounds = array<i64: 64, 4096>}]} {
    %get3A = arith.constant 0 : index
    %get3A_0 = arith.constant 0 : index
    %get3A_1 = vector.load %arg6[%get3A, %get3A_0] : memref<140x64xf32, #tpu.memory_space<vmem>>, vector<140x64xf32>
    %get3A_2 = arith.constant 0 : index
    %get3A_3 = arith.constant 0 : index
    %get3A_4 = vector.load %arg2[%get3A_2, %get3A_3] : memref<140x4096xf32, #tpu.memory_space<vmem>>, vector<140x4096xf32>
    %dot_general3A = arith.constant dense<0.000000e+00> : vector<64x4096xf32>
    %dot_general3A_5 = tpu.matmul %get3A_1, %get3A_4, %dot_general3A {dimension_numbers = #tpu.dot_dimension_numbers<[0], [0], [1], [1], [0, 1, 1, 1], [], []>, transpose_lhs_hint = false} : vector<140x64xf32>, vector<140x4096xf32>, vector<64x4096xf32> -> vector<64x4096xf32>
    %get3A_6 = arith.constant 0 : index
    %get3A_7 = arith.constant 0 : index
    %get3A_8 = vector.load %arg7[%get3A_6, %get3A_7] : memref<74x64xf32, #tpu.memory_space<vmem>>, vector<74x64xf32>
    %get3A_9 = arith.constant 0 : index
    %get3A_10 = arith.constant 0 : index
    %get3A_11 = vector.load %arg3[%get3A_9, %get3A_10] : memref<74x4096xf32, #tpu.memory_space<vmem>>, vector<74x4096xf32>
    %dot_general3A_12 = arith.constant dense<0.000000e+00> : vector<64x4096xf32>
    %dot_general3A_13 = tpu.matmul %get3A_8, %get3A_11, %dot_general3A_12 {dimension_numbers = #tpu.dot_dimension_numbers<[0], [0], [1], [1], [0, 1, 1, 1], [], []>, transpose_lhs_hint = false} : vector<74x64xf32>, vector<74x4096xf32>, vector<64x4096xf32> -> vector<64x4096xf32>
    %add3A = arith.addf %dot_general3A_5, %dot_general3A_13 : vector<64x4096xf32>
    %get3A_14 = arith.constant 0 : index
    %get3A_15 = arith.constant 0 : index
    %get3A_16 = vector.load %arg8[%get3A_14, %get3A_15] : memref<18x64xf32, #tpu.memory_space<vmem>>, vector<18x64xf32>
    %get3A_17 = arith.constant 0 : index
    %get3A_18 = arith.constant 0 : index
    %get3A_19 = vector.load %arg4[%get3A_17, %get3A_18] : memref<18x4096xf32, #tpu.memory_space<vmem>>, vector<18x4096xf32>
    %dot_general3A_20 = arith.constant dense<0.000000e+00> : vector<64x4096xf32>
    %dot_general3A_21 = tpu.matmul %get3A_16, %get3A_19, %dot_general3A_20 {dimension_numbers = #tpu.dot_dimension_numbers<[0], [0], [1], [1], [0, 1, 1, 1], [], []>, transpose_lhs_hint = false} : vector<18x64xf32>, vector<18x4096xf32>, vector<64x4096xf32> -> vector<64x4096xf32>
    %add3A_22 = arith.addf %add3A, %dot_general3A_21 : vector<64x4096xf32>
    %get3A_23 = arith.constant 0 : index
    %get3A_24 = arith.constant 0 : index
    %get3A_25 = vector.load %arg1[%get3A_23, %get3A_24] : memref<1024x128xf32, #tpu.memory_space<vmem>>, vector<1024x128xf32>
    %get3A_26 = arith.constant 0 : index
    %get3A_27 = arith.constant 0 : index
    %get3A_28 = vector.load %arg5[%get3A_26, %get3A_27] : memref<32x64xf32, #tpu.memory_space<vmem>>, vector<32x64xf32>
    %slice3A = vector.extract_strided_slice %get3A_25 {offsets = [0, 0], sizes = [1024, 32], strides = [1, 1]} : vector<1024x128xf32> to vector<1024x32xf32>
    %dot_general3A_29 = arith.constant dense<0.000000e+00> : vector<64x1024xf32>
    %dot_general3A_30 = tpu.matmul %get3A_28, %slice3A, %dot_general3A_29 {dimension_numbers = #tpu.dot_dimension_numbers<[0], [1], [1], [0], [0, 1, 1, 0], [], []>, transpose_lhs_hint = false} : vector<32x64xf32>, vector<1024x32xf32>, vector<64x1024xf32> -> vector<64x1024xf32>
    %get3A_31 = arith.constant 0 : index
    %get3A_32 = arith.constant 0 : index
    %get3A_33 = vector.load %arg5[%get3A_31, %get3A_32] : memref<32x64xf32, #tpu.memory_space<vmem>>, vector<32x64xf32>
    %slice3A_34 = vector.extract_strided_slice %get3A_25 {offsets = [0, 32], sizes = [1024, 32], strides = [1, 1]} : vector<1024x128xf32> to vector<1024x32xf32>
    %dot_general3A_35 = arith.constant dense<0.000000e+00> : vector<64x1024xf32>
    %dot_general3A_36 = tpu.matmul %get3A_33, %slice3A_34, %dot_general3A_35 {dimension_numbers = #tpu.dot_dimension_numbers<[0], [1], [1], [0], [0, 1, 1, 0], [], []>, transpose_lhs_hint = false} : vector<32x64xf32>, vector<1024x32xf32>, vector<64x1024xf32> -> vector<64x1024xf32>
    %get3A_37 = arith.constant 0 : index
    %get3A_38 = arith.constant 0 : index
    %get3A_39 = vector.load %arg5[%get3A_37, %get3A_38] : memref<32x64xf32, #tpu.memory_space<vmem>>, vector<32x64xf32>
    %slice3A_40 = vector.extract_strided_slice %get3A_25 {offsets = [0, 64], sizes = [1024, 32], strides = [1, 1]} : vector<1024x128xf32> to vector<1024x32xf32>
    %dot_general3A_41 = arith.constant dense<0.000000e+00> : vector<64x1024xf32>
    %dot_general3A_42 = tpu.matmul %get3A_39, %slice3A_40, %dot_general3A_41 {dimension_numbers = #tpu.dot_dimension_numbers<[0], [1], [1], [0], [0, 1, 1, 0], [], []>, transpose_lhs_hint = false} : vector<32x64xf32>, vector<1024x32xf32>, vector<64x1024xf32> -> vector<64x1024xf32>
    %get3A_43 = arith.constant 0 : index
    %get3A_44 = arith.constant 0 : index
    %get3A_45 = vector.load %arg5[%get3A_43, %get3A_44] : memref<32x64xf32, #tpu.memory_space<vmem>>, vector<32x64xf32>
    %slice3A_46 = vector.extract_strided_slice %get3A_25 {offsets = [0, 96], sizes = [1024, 32], strides = [1, 1]} : vector<1024x128xf32> to vector<1024x32xf32>
    %dot_general3A_47 = arith.constant dense<0.000000e+00> : vector<64x1024xf32>
    %dot_general3A_48 = tpu.matmul %get3A_45, %slice3A_46, %dot_general3A_47 {dimension_numbers = #tpu.dot_dimension_numbers<[0], [1], [1], [0], [0, 1, 1, 0], [], []>, transpose_lhs_hint = false} : vector<32x64xf32>, vector<1024x32xf32>, vector<64x1024xf32> -> vector<64x1024xf32>
    %concatenate3A = tpu.concatenate %dot_general3A_30, %dot_general3A_36, %dot_general3A_42, %dot_general3A_48 in 1 : vector<64x1024xf32>, vector<64x1024xf32>, vector<64x1024xf32>, vector<64x1024xf32> -> vector<64x4096xf32>
    %add3A_49 = arith.addf %add3A_22, %concatenate3A : vector<64x4096xf32>
    %get3A_50 = arith.constant 0 : index
    %get3A_51 = arith.constant 0 : index
    %get3A_52 = vector.load %arg9[%get3A_50, %get3A_51] : memref<64x1xf32, #tpu.memory_space<vmem>>, vector<64x1xf32>
    %add3A_53 = vector.broadcast %get3A_52 : vector<64x1xf32> to vector<64x4096xf32>
    %add3A_54 = arith.addf %add3A_49, %add3A_53 : vector<64x4096xf32>
    %neg3A = arith.constant 0.000000e+00 : f32
    %neg3A_55 = vector.broadcast %neg3A : f32 to vector<64x4096xf32>
    %neg3A_56 = arith.subf %neg3A_55, %add3A_54 : vector<64x4096xf32>
    %exp3A = math.exp %neg3A_56 : vector<64x4096xf32>
    %add3A_57 = arith.constant 1.000000e+00 : f32
    %add3A_58 = vector.broadcast %add3A_57 : f32 to vector<64x4096xf32>
    %add3A_59 = arith.addf %add3A_58, %exp3A : vector<64x4096xf32>
    %div3A = arith.constant 1.000000e+00 : f32
    %div3A_60 = vector.broadcast %div3A : f32 to vector<64x4096xf32>
    %div3A_61 = arith.divf %div3A_60, %add3A_59 : vector<64x4096xf32>
    %mul3A = arith.mulf %add3A_54, %div3A_61 : vector<64x4096xf32>
    %reduce_sum3A = arith.constant dense<0.000000e+00> : vector<4096xf32>
    %reduce_sum3A_62 = vector.multi_reduction <add>, %mul3A, %reduce_sum3A [0] : vector<64x4096xf32> to vector<4096xf32>
    %broadcast_in_dim3A = vector.shape_cast %reduce_sum3A_62 : vector<4096xf32> to vector<1x4096xf32>
    %div3A_63 = arith.constant 6.400000e+01 : f32
    %div3A_64 = vector.broadcast %div3A_63 : f32 to vector<1x4096xf32>
    %div3A_65 = arith.divf %broadcast_in_dim3A, %div3A_64 : vector<1x4096xf32>
    %sub3A = vector.broadcast %div3A_65 : vector<1x4096xf32> to vector<64x4096xf32>
    %sub3A_66 = arith.subf %mul3A, %sub3A : vector<64x4096xf32>
    %mul3A_67 = arith.mulf %sub3A_66, %sub3A_66 : vector<64x4096xf32>
    %reduce_sum3A_68 = arith.constant dense<0.000000e+00> : vector<4096xf32>
    %reduce_sum3A_69 = vector.multi_reduction <add>, %mul3A_67, %reduce_sum3A_68 [0] : vector<64x4096xf32> to vector<4096xf32>
    %broadcast_in_dim3A_70 = vector.shape_cast %reduce_sum3A_69 : vector<4096xf32> to vector<1x4096xf32>
    %div3A_71 = arith.constant 6.400000e+01 : f32
    %div3A_72 = vector.broadcast %div3A_71 : f32 to vector<1x4096xf32>
    %div3A_73 = arith.divf %broadcast_in_dim3A_70, %div3A_72 : vector<1x4096xf32>
    %add3A_74 = arith.constant 9.99999974E-6 : f32
    %add3A_75 = vector.broadcast %add3A_74 : f32 to vector<1x4096xf32>
    %add3A_76 = arith.addf %div3A_73, %add3A_75 : vector<1x4096xf32>
    %rsqrt3A = math.rsqrt %add3A_76 : vector<1x4096xf32>
    %mul3A_77 = vector.broadcast %rsqrt3A : vector<1x4096xf32> to vector<64x4096xf32>
    %mul3A_78 = arith.mulf %sub3A_66, %mul3A_77 : vector<64x4096xf32>
    %get3A_79 = arith.constant 0 : index
    %get3A_80 = arith.constant 0 : index
    %get3A_81 = vector.load %arg10[%get3A_79, %get3A_80] : memref<64x1xf32, #tpu.memory_space<vmem>>, vector<64x1xf32>
    %mul3A_82 = vector.broadcast %get3A_81 : vector<64x1xf32> to vector<64x4096xf32>
    %mul3A_83 = arith.mulf %mul3A_78, %mul3A_82 : vector<64x4096xf32>
    %get3A_84 = arith.constant 0 : index
    %get3A_85 = arith.constant 0 : index
    %get3A_86 = vector.load %arg11[%get3A_84, %get3A_85] : memref<64x1xf32, #tpu.memory_space<vmem>>, vector<64x1xf32>
    %add3A_87 = vector.broadcast %get3A_86 : vector<64x1xf32> to vector<64x4096xf32>
    %add3A_88 = arith.addf %mul3A_83, %add3A_87 : vector<64x4096xf32>
    %swap3A = arith.constant 0 : index
    %swap3A_89 = arith.constant 0 : index
    %swap3A_90 = vector.load %arg12[%swap3A, %swap3A_89] : memref<64x4096xf32, #tpu.memory_space<vmem>>, vector<64x4096xf32>
    tpu.vector_store %arg12[%swap3A, %swap3A_89], %add3A_88 {strides = array<i32>} : memref<64x4096xf32, #tpu.memory_space<vmem>>, vector<64x4096xf32>,
    return
  }
  func.func @transform_0(%arg0: i32) -> (i32, i32) {
    %c0_i32 = arith.constant 0 : i32
    %c0_i32_0 = arith.constant 0 : i32
    return %arg0, %c0_i32 : i32, i32
  }
  func.func @transform_1(%arg0: i32) -> (i32, i32) {
    %add3A = arith.constant 0 : i32
    %add3A_0 = arith.addi %add3A, %arg0 : i32
    %c0_i32 = arith.constant 0 : i32
    %c0_i32_1 = arith.constant 0 : i32
    return %c0_i32, %add3A_0 : i32, i32
  }
  func.func @transform_2(%arg0: i32) -> (i32, i32) {
    %add3A = arith.constant 0 : i32
    %add3A_0 = arith.addi %add3A, %arg0 : i32
    %c0_i32 = arith.constant 0 : i32
    %c0_i32_1 = arith.constant 0 : i32
    return %c0_i32, %add3A_0 : i32, i32
  }
  func.func @transform_3(%arg0: i32) -> (i32, i32) {
    %add3A = arith.constant 0 : i32
    %add3A_0 = arith.addi %add3A, %arg0 : i32
    %c0_i32 = arith.constant 0 : i32
    %c0_i32_1 = arith.constant 0 : i32
    return %c0_i32, %add3A_0 : i32, i32
  }
  func.func @transform_4(%arg0: i32) -> (i32, i32) {
    %c0_i32 = arith.constant 0 : i32
    %c0_i32_0 = arith.constant 0 : i32
    %c0_i32_1 = arith.constant 0 : i32
    return %c0_i32, %c0_i32_0 : i32, i32
  }
  func.func @transform_5(%arg0: i32) -> (i32, i32) {
    %c0_i32 = arith.constant 0 : i32
    %c0_i32_0 = arith.constant 0 : i32
    %c0_i32_1 = arith.constant 0 : i32
    return %c0_i32, %c0_i32_0 : i32, i32
  }
  func.func @transform_6(%arg0: i32) -> (i32, i32) {
    %c0_i32 = arith.constant 0 : i32
    %c0_i32_0 = arith.constant 0 : i32
    %c0_i32_1 = arith.constant 0 : i32
    return %c0_i32, %c0_i32_0 : i32, i32
  }
  func.func @transform_7(%arg0: i32) -> (i32, i32) {
    %c0_i32 = arith.constant 0 : i32
    %c0_i32_0 = arith.constant 0 : i32
    %c0_i32_1 = arith.constant 0 : i32
    return %c0_i32, %c0_i32_0 : i32, i32
  }
  func.func @transform_8(%arg0: i32) -> (i32, i32) {
    %c0_i32 = arith.constant 0 : i32
    %c0_i32_0 = arith.constant 0 : i32
    %c0_i32_1 = arith.constant 0 : i32
    return %c0_i32, %c0_i32_0 : i32, i32
  }
  func.func @transform_9(%arg0: i32) -> (i32, i32) {
    %c0_i32 = arith.constant 0 : i32
    %c0_i32_0 = arith.constant 0 : i32
    %c0_i32_1 = arith.constant 0 : i32
    return %c0_i32, %c0_i32_0 : i32, i32
  }
  func.func @transform_10(%arg0: i32) -> (i32, i32) {
    %c0_i32 = arith.constant 0 : i32
    %c0_i32_0 = arith.constant 0 : i32
    %c0_i32_1 = arith.constant 0 : i32
    return %c0_i32, %c0_i32_0 : i32, i32
  }
  func.func @transform_11(%arg0: i32) -> (i32, i32) {
    %add3A = arith.constant 0 : i32
    %add3A_0 = arith.addi %add3A, %arg0 : i32
    %c0_i32 = arith.constant 0 : i32
    %c0_i32_1 = arith.constant 0 : i32
    return %c0_i32, %add3A_0 : i32, i32
  }
}

module attributes {stable_mosaic.version = 14 : i64} {
  func.func @_tc_body_carry(%arg0: i32, %arg1: memref<1024x128xf32, #tpu.memory_space<vmem>>, %arg2: memref<140x4096xf32, #tpu.memory_space<vmem>>, %arg3: memref<74x4096xf32, #tpu.memory_space<vmem>>, %arg4: memref<18x4096xf32, #tpu.memory_space<vmem>>, %arg5: memref<32x64xf32, #tpu.memory_space<vmem>>, %arg6: memref<140x64xf32, #tpu.memory_space<vmem>>, %arg7: memref<74x64xf32, #tpu.memory_space<vmem>>, %arg8: memref<18x64xf32, #tpu.memory_space<vmem>>, %arg9: memref<64x1xf32, #tpu.memory_space<vmem>>, %arg10: memref<64x1xf32, #tpu.memory_space<vmem>>, %arg11: memref<64x1xf32, #tpu.memory_space<vmem>>, %arg12: memref<64x100000xf32, #tpu.memory_space<any>>, %arg13: memref<64x4096xf32, #tpu.memory_space<vmem>>) attributes {dimension_semantics = [#tpu.dimension_semantics<arbitrary>], iteration_bounds = array<i64: 6>, scalar_prefetch = 0 : i64, scratch_operands = 0 : i64, tpu.core_type = #tpu.core_type<tc>, window_params = [{transform_indices = @transform_0, window_bounds = array<i64: 1024, 128>}, {transform_indices = @transform_1, window_bounds = array<i64: 140, 4096>}, {transform_indices = @transform_2, window_bounds = array<i64: 74, 4096>}, {transform_indices = @transform_3, window_bounds = array<i64: 18, 4096>}, {pipeline_mode = #tpu.pipeline_mode<synchronous>, transform_indices = @transform_4, window_bounds = array<i64: 32, 64>}, {pipeline_mode = #tpu.pipeline_mode<synchronous>, transform_indices = @transform_5, window_bounds = array<i64: 140, 64>}, {pipeline_mode = #tpu.pipeline_mode<synchronous>, transform_indices = @transform_6, window_bounds = array<i64: 74, 64>}, {pipeline_mode = #tpu.pipeline_mode<synchronous>, transform_indices = @transform_7, window_bounds = array<i64: 18, 64>}, {pipeline_mode = #tpu.pipeline_mode<synchronous>, transform_indices = @transform_8, window_bounds = array<i64: 64, 1>}, {pipeline_mode = #tpu.pipeline_mode<synchronous>, transform_indices = @transform_9, window_bounds = array<i64: 64, 1>}, {pipeline_mode = #tpu.pipeline_mode<synchronous>, transform_indices = @transform_10, window_bounds = array<i64: 64, 1>}, {}, {transform_indices = @transform_12, window_bounds = array<i64: 64, 4096>}]} {
    %get3A = arith.constant 0 : index
    %get3A_0 = arith.constant 0 : index
    %get3A_1 = vector.load %arg6[%get3A, %get3A_0] : memref<140x64xf32, #tpu.memory_space<vmem>>, vector<140x64xf32>
    %get3A_2 = arith.constant 0 : index
    %get3A_3 = arith.constant 0 : index
    %get3A_4 = vector.load %arg2[%get3A_2, %get3A_3] : memref<140x4096xf32, #tpu.memory_space<vmem>>, vector<140x4096xf32>
    %dot_general3A = arith.constant dense<0.000000e+00> : vector<64x4096xf32>
    %dot_general3A_5 = tpu.matmul %get3A_1, %get3A_4, %dot_general3A {dimension_numbers = #tpu.dot_dimension_numbers<[0], [0], [1], [1], [0, 1, 1, 1], [], []>, transpose_lhs_hint = false} : vector<140x64xf32>, vector<140x4096xf32>, vector<64x4096xf32> -> vector<64x4096xf32>
    %get3A_6 = arith.constant 0 : index
    %get3A_7 = arith.constant 0 : index
    %get3A_8 = vector.load %arg7[%get3A_6, %get3A_7] : memref<74x64xf32, #tpu.memory_space<vmem>>, vector<74x64xf32>
    %get3A_9 = arith.constant 0 : index
    %get3A_10 = arith.constant 0 : index
    %get3A_11 = vector.load %arg3[%get3A_9, %get3A_10] : memref<74x4096xf32, #tpu.memory_space<vmem>>, vector<74x4096xf32>
    %dot_general3A_12 = arith.constant dense<0.000000e+00> : vector<64x4096xf32>
    %dot_general3A_13 = tpu.matmul %get3A_8, %get3A_11, %dot_general3A_12 {dimension_numbers = #tpu.dot_dimension_numbers<[0], [0], [1], [1], [0, 1, 1, 1], [], []>, transpose_lhs_hint = false} : vector<74x64xf32>, vector<74x4096xf32>, vector<64x4096xf32> -> vector<64x4096xf32>
    %add3A = arith.addf %dot_general3A_5, %dot_general3A_13 : vector<64x4096xf32>
    %get3A_14 = arith.constant 0 : index
    %get3A_15 = arith.constant 0 : index
    %get3A_16 = vector.load %arg8[%get3A_14, %get3A_15] : memref<18x64xf32, #tpu.memory_space<vmem>>, vector<18x64xf32>
    %get3A_17 = arith.constant 0 : index
    %get3A_18 = arith.constant 0 : index
    %get3A_19 = vector.load %arg4[%get3A_17, %get3A_18] : memref<18x4096xf32, #tpu.memory_space<vmem>>, vector<18x4096xf32>
    %dot_general3A_20 = arith.constant dense<0.000000e+00> : vector<64x4096xf32>
    %dot_general3A_21 = tpu.matmul %get3A_16, %get3A_19, %dot_general3A_20 {dimension_numbers = #tpu.dot_dimension_numbers<[0], [0], [1], [1], [0, 1, 1, 1], [], []>, transpose_lhs_hint = false} : vector<18x64xf32>, vector<18x4096xf32>, vector<64x4096xf32> -> vector<64x4096xf32>
    %add3A_22 = arith.addf %add3A, %dot_general3A_21 : vector<64x4096xf32>
    %get3A_23 = arith.constant 0 : index
    %get3A_24 = arith.constant 0 : index
    %get3A_25 = vector.load %arg1[%get3A_23, %get3A_24] : memref<1024x128xf32, #tpu.memory_space<vmem>>, vector<1024x128xf32>
    %get3A_26 = arith.constant 0 : index
    %get3A_27 = arith.constant 0 : index
    %get3A_28 = vector.load %arg5[%get3A_26, %get3A_27] : memref<32x64xf32, #tpu.memory_space<vmem>>, vector<32x64xf32>
    %slice3A = vector.extract_strided_slice %get3A_25 {offsets = [0, 0], sizes = [1024, 32], strides = [1, 1]} : vector<1024x128xf32> to vector<1024x32xf32>
    %dot_general3A_29 = arith.constant dense<0.000000e+00> : vector<64x1024xf32>
    %dot_general3A_30 = tpu.matmul %get3A_28, %slice3A, %dot_general3A_29 {dimension_numbers = #tpu.dot_dimension_numbers<[0], [1], [1], [0], [0, 1, 1, 0], [], []>, transpose_lhs_hint = false} : vector<32x64xf32>, vector<1024x32xf32>, vector<64x1024xf32> -> vector<64x1024xf32>
    %get3A_31 = arith.constant 0 : index
    %get3A_32 = arith.constant 0 : index
    %get3A_33 = vector.load %arg5[%get3A_31, %get3A_32] : memref<32x64xf32, #tpu.memory_space<vmem>>, vector<32x64xf32>
    %slice3A_34 = vector.extract_strided_slice %get3A_25 {offsets = [0, 32], sizes = [1024, 32], strides = [1, 1]} : vector<1024x128xf32> to vector<1024x32xf32>
    %dot_general3A_35 = arith.constant dense<0.000000e+00> : vector<64x1024xf32>
    %dot_general3A_36 = tpu.matmul %get3A_33, %slice3A_34, %dot_general3A_35 {dimension_numbers = #tpu.dot_dimension_numbers<[0], [1], [1], [0], [0, 1, 1, 0], [], []>, transpose_lhs_hint = false} : vector<32x64xf32>, vector<1024x32xf32>, vector<64x1024xf32> -> vector<64x1024xf32>
    %get3A_37 = arith.constant 0 : index
    %get3A_38 = arith.constant 0 : index
    %get3A_39 = vector.load %arg5[%get3A_37, %get3A_38] : memref<32x64xf32, #tpu.memory_space<vmem>>, vector<32x64xf32>
    %slice3A_40 = vector.extract_strided_slice %get3A_25 {offsets = [0, 64], sizes = [1024, 32], strides = [1, 1]} : vector<1024x128xf32> to vector<1024x32xf32>
    %dot_general3A_41 = arith.constant dense<0.000000e+00> : vector<64x1024xf32>
    %dot_general3A_42 = tpu.matmul %get3A_39, %slice3A_40, %dot_general3A_41 {dimension_numbers = #tpu.dot_dimension_numbers<[0], [1], [1], [0], [0, 1, 1, 0], [], []>, transpose_lhs_hint = false} : vector<32x64xf32>, vector<1024x32xf32>, vector<64x1024xf32> -> vector<64x1024xf32>
    %get3A_43 = arith.constant 0 : index
    %get3A_44 = arith.constant 0 : index
    %get3A_45 = vector.load %arg5[%get3A_43, %get3A_44] : memref<32x64xf32, #tpu.memory_space<vmem>>, vector<32x64xf32>
    %slice3A_46 = vector.extract_strided_slice %get3A_25 {offsets = [0, 96], sizes = [1024, 32], strides = [1, 1]} : vector<1024x128xf32> to vector<1024x32xf32>
    %dot_general3A_47 = arith.constant dense<0.000000e+00> : vector<64x1024xf32>
    %dot_general3A_48 = tpu.matmul %get3A_45, %slice3A_46, %dot_general3A_47 {dimension_numbers = #tpu.dot_dimension_numbers<[0], [1], [1], [0], [0, 1, 1, 0], [], []>, transpose_lhs_hint = false} : vector<32x64xf32>, vector<1024x32xf32>, vector<64x1024xf32> -> vector<64x1024xf32>
    %concatenate3A = tpu.concatenate %dot_general3A_30, %dot_general3A_36, %dot_general3A_42, %dot_general3A_48 in 1 : vector<64x1024xf32>, vector<64x1024xf32>, vector<64x1024xf32>, vector<64x1024xf32> -> vector<64x4096xf32>
    %add3A_49 = arith.addf %add3A_22, %concatenate3A : vector<64x4096xf32>
    %get3A_50 = arith.constant 0 : index
    %get3A_51 = arith.constant 0 : index
    %get3A_52 = vector.load %arg9[%get3A_50, %get3A_51] : memref<64x1xf32, #tpu.memory_space<vmem>>, vector<64x1xf32>
    %add3A_53 = vector.broadcast %get3A_52 : vector<64x1xf32> to vector<64x4096xf32>
    %add3A_54 = arith.addf %add3A_49, %add3A_53 : vector<64x4096xf32>
    %neg3A = arith.constant 0.000000e+00 : f32
    %neg3A_55 = vector.broadcast %neg3A : f32 to vector<64x4096xf32>
    %neg3A_56 = arith.subf %neg3A_55, %add3A_54 : vector<64x4096xf32>
    %exp3A = math.exp %neg3A_56 : vector<64x4096xf32>
    %add3A_57 = arith.constant 1.000000e+00 : f32
    %add3A_58 = vector.broadcast %add3A_57 : f32 to vector<64x4096xf32>
    %add3A_59 = arith.addf %add3A_58, %exp3A : vector<64x4096xf32>
    %div3A = arith.constant 1.000000e+00 : f32
    %div3A_60 = vector.broadcast %div3A : f32 to vector<64x4096xf32>
    %div3A_61 = arith.divf %div3A_60, %add3A_59 : vector<64x4096xf32>
    %mul3A = arith.mulf %add3A_54, %div3A_61 : vector<64x4096xf32>
    %reduce_sum3A = arith.constant dense<0.000000e+00> : vector<4096xf32>
    %reduce_sum3A_62 = vector.multi_reduction <add>, %mul3A, %reduce_sum3A [0] : vector<64x4096xf32> to vector<4096xf32>
    %broadcast_in_dim3A = vector.shape_cast %reduce_sum3A_62 : vector<4096xf32> to vector<1x4096xf32>
    %div3A_63 = arith.constant 6.400000e+01 : f32
    %div3A_64 = vector.broadcast %div3A_63 : f32 to vector<1x4096xf32>
    %div3A_65 = arith.divf %broadcast_in_dim3A, %div3A_64 : vector<1x4096xf32>
    %sub3A = vector.broadcast %div3A_65 : vector<1x4096xf32> to vector<64x4096xf32>
    %sub3A_66 = arith.subf %mul3A, %sub3A : vector<64x4096xf32>
    %mul3A_67 = arith.mulf %sub3A_66, %sub3A_66 : vector<64x4096xf32>
    %reduce_sum3A_68 = arith.constant dense<0.000000e+00> : vector<4096xf32>
    %reduce_sum3A_69 = vector.multi_reduction <add>, %mul3A_67, %reduce_sum3A_68 [0] : vector<64x4096xf32> to vector<4096xf32>
    %broadcast_in_dim3A_70 = vector.shape_cast %reduce_sum3A_69 : vector<4096xf32> to vector<1x4096xf32>
    %div3A_71 = arith.constant 6.400000e+01 : f32
    %div3A_72 = vector.broadcast %div3A_71 : f32 to vector<1x4096xf32>
    %div3A_73 = arith.divf %broadcast_in_dim3A_70, %div3A_72 : vector<1x4096xf32>
    %add3A_74 = arith.constant 9.99999974E-6 : f32
    %add3A_75 = vector.broadcast %add3A_74 : f32 to vector<1x4096xf32>
    %add3A_76 = arith.addf %div3A_73, %add3A_75 : vector<1x4096xf32>
    %rsqrt3A = math.rsqrt %add3A_76 : vector<1x4096xf32>
    %mul3A_77 = vector.broadcast %rsqrt3A : vector<1x4096xf32> to vector<64x4096xf32>
    %mul3A_78 = arith.mulf %sub3A_66, %mul3A_77 : vector<64x4096xf32>
    %get3A_79 = arith.constant 0 : index
    %get3A_80 = arith.constant 0 : index
    %get3A_81 = vector.load %arg10[%get3A_79, %get3A_80] : memref<64x1xf32, #tpu.memory_space<vmem>>, vector<64x1xf32>
    %mul3A_82 = vector.broadcast %get3A_81 : vector<64x1xf32> to vector<64x4096xf32>
    %mul3A_83 = arith.mulf %mul3A_78, %mul3A_82 : vector<64x4096xf32>
    %get3A_84 = arith.constant 0 : index
    %get3A_85 = arith.constant 0 : index
    %get3A_86 = vector.load %arg11[%get3A_84, %get3A_85] : memref<64x1xf32, #tpu.memory_space<vmem>>, vector<64x1xf32>
    %add3A_87 = vector.broadcast %get3A_86 : vector<64x1xf32> to vector<64x4096xf32>
    %add3A_88 = arith.addf %mul3A_83, %add3A_87 : vector<64x4096xf32>
    %swap3A = arith.constant 0 : index
    %swap3A_89 = arith.constant 0 : index
    %swap3A_90 = vector.load %arg13[%swap3A, %swap3A_89] : memref<64x4096xf32, #tpu.memory_space<vmem>>, vector<64x4096xf32>
    tpu.vector_store %arg13[%swap3A, %swap3A_89], %add3A_88 {strides = array<i32>} : memref<64x4096xf32, #tpu.memory_space<vmem>>, vector<64x4096xf32>,
    return
  }
  func.func @transform_0(%arg0: i32) -> (i32, i32) {
    %c0_i32 = arith.constant 0 : i32
    %c0_i32_0 = arith.constant 0 : i32
    return %arg0, %c0_i32 : i32, i32
  }
  func.func @transform_1(%arg0: i32) -> (i32, i32) {
    %add3A = arith.constant 6 : i32
    %add3A_0 = arith.addi %add3A, %arg0 : i32
    %c0_i32 = arith.constant 0 : i32
    %c0_i32_1 = arith.constant 0 : i32
    return %c0_i32, %add3A_0 : i32, i32
  }
  func.func @transform_2(%arg0: i32) -> (i32, i32) {
    %add3A = arith.constant 6 : i32
    %add3A_0 = arith.addi %add3A, %arg0 : i32
    %c0_i32 = arith.constant 0 : i32
    %c0_i32_1 = arith.constant 0 : i32
    return %c0_i32, %add3A_0 : i32, i32
  }
  func.func @transform_3(%arg0: i32) -> (i32, i32) {
    %add3A = arith.constant 6 : i32
    %add3A_0 = arith.addi %add3A, %arg0 : i32
    %c0_i32 = arith.constant 0 : i32
    %c0_i32_1 = arith.constant 0 : i32
    return %c0_i32, %add3A_0 : i32, i32
  }
  func.func @transform_4(%arg0: i32) -> (i32, i32) {
    %c0_i32 = arith.constant 0 : i32
    %c0_i32_0 = arith.constant 0 : i32
    %c0_i32_1 = arith.constant 0 : i32
    return %c0_i32, %c0_i32_0 : i32, i32
  }
  func.func @transform_5(%arg0: i32) -> (i32, i32) {
    %c0_i32 = arith.constant 0 : i32
    %c0_i32_0 = arith.constant 0 : i32
    %c0_i32_1 = arith.constant 0 : i32
    return %c0_i32, %c0_i32_0 : i32, i32
  }
  func.func @transform_6(%arg0: i32) -> (i32, i32) {
    %c0_i32 = arith.constant 0 : i32
    %c0_i32_0 = arith.constant 0 : i32
    %c0_i32_1 = arith.constant 0 : i32
    return %c0_i32, %c0_i32_0 : i32, i32
  }
  func.func @transform_7(%arg0: i32) -> (i32, i32) {
    %c0_i32 = arith.constant 0 : i32
    %c0_i32_0 = arith.constant 0 : i32
    %c0_i32_1 = arith.constant 0 : i32
    return %c0_i32, %c0_i32_0 : i32, i32
  }
  func.func @transform_8(%arg0: i32) -> (i32, i32) {
    %c0_i32 = arith.constant 0 : i32
    %c0_i32_0 = arith.constant 0 : i32
    %c0_i32_1 = arith.constant 0 : i32
    return %c0_i32, %c0_i32_0 : i32, i32
  }
  func.func @transform_9(%arg0: i32) -> (i32, i32) {
    %c0_i32 = arith.constant 0 : i32
    %c0_i32_0 = arith.constant 0 : i32
    %c0_i32_1 = arith.constant 0 : i32
    return %c0_i32, %c0_i32_0 : i32, i32
  }
  func.func @transform_10(%arg0: i32) -> (i32, i32) {
    %c0_i32 = arith.constant 0 : i32
    %c0_i32_0 = arith.constant 0 : i32
    %c0_i32_1 = arith.constant 0 : i32
    return %c0_i32, %c0_i32_0 : i32, i32
  }
  func.func @transform_12(%arg0: i32) -> (i32, i32) {
    %add3A = arith.constant 6 : i32
    %add3A_0 = arith.addi %add3A, %arg0 : i32
    %c0_i32 = arith.constant 0 : i32
    %c0_i32_1 = arith.constant 0 : i32
    return %c0_i32, %add3A_0 : i32, i32
  }
}

module attributes {stable_mosaic.version = 14 : i64} {
  func.func @_tc_body_carry(%arg0: i32, %arg1: memref<1024x128xf32, #tpu.memory_space<vmem>>, %arg2: memref<140x4096xf32, #tpu.memory_space<vmem>>, %arg3: memref<74x4096xf32, #tpu.memory_space<vmem>>, %arg4: memref<18x4096xf32, #tpu.memory_space<vmem>>, %arg5: memref<32x64xf32, #tpu.memory_space<vmem>>, %arg6: memref<140x64xf32, #tpu.memory_space<vmem>>, %arg7: memref<74x64xf32, #tpu.memory_space<vmem>>, %arg8: memref<18x64xf32, #tpu.memory_space<vmem>>, %arg9: memref<64x1xf32, #tpu.memory_space<vmem>>, %arg10: memref<64x1xf32, #tpu.memory_space<vmem>>, %arg11: memref<64x1xf32, #tpu.memory_space<vmem>>, %arg12: memref<64x100000xf32, #tpu.memory_space<any>>, %arg13: memref<64x4096xf32, #tpu.memory_space<vmem>>) attributes {dimension_semantics = [#tpu.dimension_semantics<arbitrary>], iteration_bounds = array<i64: 6>, scalar_prefetch = 0 : i64, scratch_operands = 0 : i64, tpu.core_type = #tpu.core_type<tc>, window_params = [{transform_indices = @transform_0, window_bounds = array<i64: 1024, 128>}, {transform_indices = @transform_1, window_bounds = array<i64: 140, 4096>}, {transform_indices = @transform_2, window_bounds = array<i64: 74, 4096>}, {transform_indices = @transform_3, window_bounds = array<i64: 18, 4096>}, {pipeline_mode = #tpu.pipeline_mode<synchronous>, transform_indices = @transform_4, window_bounds = array<i64: 32, 64>}, {pipeline_mode = #tpu.pipeline_mode<synchronous>, transform_indices = @transform_5, window_bounds = array<i64: 140, 64>}, {pipeline_mode = #tpu.pipeline_mode<synchronous>, transform_indices = @transform_6, window_bounds = array<i64: 74, 64>}, {pipeline_mode = #tpu.pipeline_mode<synchronous>, transform_indices = @transform_7, window_bounds = array<i64: 18, 64>}, {pipeline_mode = #tpu.pipeline_mode<synchronous>, transform_indices = @transform_8, window_bounds = array<i64: 64, 1>}, {pipeline_mode = #tpu.pipeline_mode<synchronous>, transform_indices = @transform_9, window_bounds = array<i64: 64, 1>}, {pipeline_mode = #tpu.pipeline_mode<synchronous>, transform_indices = @transform_10, window_bounds = array<i64: 64, 1>}, {}, {transform_indices = @transform_12, window_bounds = array<i64: 64, 4096>}]} {
    %get3A = arith.constant 0 : index
    %get3A_0 = arith.constant 0 : index
    %get3A_1 = vector.load %arg6[%get3A, %get3A_0] : memref<140x64xf32, #tpu.memory_space<vmem>>, vector<140x64xf32>
    %get3A_2 = arith.constant 0 : index
    %get3A_3 = arith.constant 0 : index
    %get3A_4 = vector.load %arg2[%get3A_2, %get3A_3] : memref<140x4096xf32, #tpu.memory_space<vmem>>, vector<140x4096xf32>
    %dot_general3A = arith.constant dense<0.000000e+00> : vector<64x4096xf32>
    %dot_general3A_5 = tpu.matmul %get3A_1, %get3A_4, %dot_general3A {dimension_numbers = #tpu.dot_dimension_numbers<[0], [0], [1], [1], [0, 1, 1, 1], [], []>, transpose_lhs_hint = false} : vector<140x64xf32>, vector<140x4096xf32>, vector<64x4096xf32> -> vector<64x4096xf32>
    %get3A_6 = arith.constant 0 : index
    %get3A_7 = arith.constant 0 : index
    %get3A_8 = vector.load %arg7[%get3A_6, %get3A_7] : memref<74x64xf32, #tpu.memory_space<vmem>>, vector<74x64xf32>
    %get3A_9 = arith.constant 0 : index
    %get3A_10 = arith.constant 0 : index
    %get3A_11 = vector.load %arg3[%get3A_9, %get3A_10] : memref<74x4096xf32, #tpu.memory_space<vmem>>, vector<74x4096xf32>
    %dot_general3A_12 = arith.constant dense<0.000000e+00> : vector<64x4096xf32>
    %dot_general3A_13 = tpu.matmul %get3A_8, %get3A_11, %dot_general3A_12 {dimension_numbers = #tpu.dot_dimension_numbers<[0], [0], [1], [1], [0, 1, 1, 1], [], []>, transpose_lhs_hint = false} : vector<74x64xf32>, vector<74x4096xf32>, vector<64x4096xf32> -> vector<64x4096xf32>
    %add3A = arith.addf %dot_general3A_5, %dot_general3A_13 : vector<64x4096xf32>
    %get3A_14 = arith.constant 0 : index
    %get3A_15 = arith.constant 0 : index
    %get3A_16 = vector.load %arg8[%get3A_14, %get3A_15] : memref<18x64xf32, #tpu.memory_space<vmem>>, vector<18x64xf32>
    %get3A_17 = arith.constant 0 : index
    %get3A_18 = arith.constant 0 : index
    %get3A_19 = vector.load %arg4[%get3A_17, %get3A_18] : memref<18x4096xf32, #tpu.memory_space<vmem>>, vector<18x4096xf32>
    %dot_general3A_20 = arith.constant dense<0.000000e+00> : vector<64x4096xf32>
    %dot_general3A_21 = tpu.matmul %get3A_16, %get3A_19, %dot_general3A_20 {dimension_numbers = #tpu.dot_dimension_numbers<[0], [0], [1], [1], [0, 1, 1, 1], [], []>, transpose_lhs_hint = false} : vector<18x64xf32>, vector<18x4096xf32>, vector<64x4096xf32> -> vector<64x4096xf32>
    %add3A_22 = arith.addf %add3A, %dot_general3A_21 : vector<64x4096xf32>
    %get3A_23 = arith.constant 0 : index
    %get3A_24 = arith.constant 0 : index
    %get3A_25 = vector.load %arg1[%get3A_23, %get3A_24] : memref<1024x128xf32, #tpu.memory_space<vmem>>, vector<1024x128xf32>
    %get3A_26 = arith.constant 0 : index
    %get3A_27 = arith.constant 0 : index
    %get3A_28 = vector.load %arg5[%get3A_26, %get3A_27] : memref<32x64xf32, #tpu.memory_space<vmem>>, vector<32x64xf32>
    %slice3A = vector.extract_strided_slice %get3A_25 {offsets = [0, 0], sizes = [1024, 32], strides = [1, 1]} : vector<1024x128xf32> to vector<1024x32xf32>
    %dot_general3A_29 = arith.constant dense<0.000000e+00> : vector<64x1024xf32>
    %dot_general3A_30 = tpu.matmul %get3A_28, %slice3A, %dot_general3A_29 {dimension_numbers = #tpu.dot_dimension_numbers<[0], [1], [1], [0], [0, 1, 1, 0], [], []>, transpose_lhs_hint = false} : vector<32x64xf32>, vector<1024x32xf32>, vector<64x1024xf32> -> vector<64x1024xf32>
    %get3A_31 = arith.constant 0 : index
    %get3A_32 = arith.constant 0 : index
    %get3A_33 = vector.load %arg5[%get3A_31, %get3A_32] : memref<32x64xf32, #tpu.memory_space<vmem>>, vector<32x64xf32>
    %slice3A_34 = vector.extract_strided_slice %get3A_25 {offsets = [0, 32], sizes = [1024, 32], strides = [1, 1]} : vector<1024x128xf32> to vector<1024x32xf32>
    %dot_general3A_35 = arith.constant dense<0.000000e+00> : vector<64x1024xf32>
    %dot_general3A_36 = tpu.matmul %get3A_33, %slice3A_34, %dot_general3A_35 {dimension_numbers = #tpu.dot_dimension_numbers<[0], [1], [1], [0], [0, 1, 1, 0], [], []>, transpose_lhs_hint = false} : vector<32x64xf32>, vector<1024x32xf32>, vector<64x1024xf32> -> vector<64x1024xf32>
    %get3A_37 = arith.constant 0 : index
    %get3A_38 = arith.constant 0 : index
    %get3A_39 = vector.load %arg5[%get3A_37, %get3A_38] : memref<32x64xf32, #tpu.memory_space<vmem>>, vector<32x64xf32>
    %slice3A_40 = vector.extract_strided_slice %get3A_25 {offsets = [0, 64], sizes = [1024, 32], strides = [1, 1]} : vector<1024x128xf32> to vector<1024x32xf32>
    %dot_general3A_41 = arith.constant dense<0.000000e+00> : vector<64x1024xf32>
    %dot_general3A_42 = tpu.matmul %get3A_39, %slice3A_40, %dot_general3A_41 {dimension_numbers = #tpu.dot_dimension_numbers<[0], [1], [1], [0], [0, 1, 1, 0], [], []>, transpose_lhs_hint = false} : vector<32x64xf32>, vector<1024x32xf32>, vector<64x1024xf32> -> vector<64x1024xf32>
    %get3A_43 = arith.constant 0 : index
    %get3A_44 = arith.constant 0 : index
    %get3A_45 = vector.load %arg5[%get3A_43, %get3A_44] : memref<32x64xf32, #tpu.memory_space<vmem>>, vector<32x64xf32>
    %slice3A_46 = vector.extract_strided_slice %get3A_25 {offsets = [0, 96], sizes = [1024, 32], strides = [1, 1]} : vector<1024x128xf32> to vector<1024x32xf32>
    %dot_general3A_47 = arith.constant dense<0.000000e+00> : vector<64x1024xf32>
    %dot_general3A_48 = tpu.matmul %get3A_45, %slice3A_46, %dot_general3A_47 {dimension_numbers = #tpu.dot_dimension_numbers<[0], [1], [1], [0], [0, 1, 1, 0], [], []>, transpose_lhs_hint = false} : vector<32x64xf32>, vector<1024x32xf32>, vector<64x1024xf32> -> vector<64x1024xf32>
    %concatenate3A = tpu.concatenate %dot_general3A_30, %dot_general3A_36, %dot_general3A_42, %dot_general3A_48 in 1 : vector<64x1024xf32>, vector<64x1024xf32>, vector<64x1024xf32>, vector<64x1024xf32> -> vector<64x4096xf32>
    %add3A_49 = arith.addf %add3A_22, %concatenate3A : vector<64x4096xf32>
    %get3A_50 = arith.constant 0 : index
    %get3A_51 = arith.constant 0 : index
    %get3A_52 = vector.load %arg9[%get3A_50, %get3A_51] : memref<64x1xf32, #tpu.memory_space<vmem>>, vector<64x1xf32>
    %add3A_53 = vector.broadcast %get3A_52 : vector<64x1xf32> to vector<64x4096xf32>
    %add3A_54 = arith.addf %add3A_49, %add3A_53 : vector<64x4096xf32>
    %neg3A = arith.constant 0.000000e+00 : f32
    %neg3A_55 = vector.broadcast %neg3A : f32 to vector<64x4096xf32>
    %neg3A_56 = arith.subf %neg3A_55, %add3A_54 : vector<64x4096xf32>
    %exp3A = math.exp %neg3A_56 : vector<64x4096xf32>
    %add3A_57 = arith.constant 1.000000e+00 : f32
    %add3A_58 = vector.broadcast %add3A_57 : f32 to vector<64x4096xf32>
    %add3A_59 = arith.addf %add3A_58, %exp3A : vector<64x4096xf32>
    %div3A = arith.constant 1.000000e+00 : f32
    %div3A_60 = vector.broadcast %div3A : f32 to vector<64x4096xf32>
    %div3A_61 = arith.divf %div3A_60, %add3A_59 : vector<64x4096xf32>
    %mul3A = arith.mulf %add3A_54, %div3A_61 : vector<64x4096xf32>
    %reduce_sum3A = arith.constant dense<0.000000e+00> : vector<4096xf32>
    %reduce_sum3A_62 = vector.multi_reduction <add>, %mul3A, %reduce_sum3A [0] : vector<64x4096xf32> to vector<4096xf32>
    %broadcast_in_dim3A = vector.shape_cast %reduce_sum3A_62 : vector<4096xf32> to vector<1x4096xf32>
    %div3A_63 = arith.constant 6.400000e+01 : f32
    %div3A_64 = vector.broadcast %div3A_63 : f32 to vector<1x4096xf32>
    %div3A_65 = arith.divf %broadcast_in_dim3A, %div3A_64 : vector<1x4096xf32>
    %sub3A = vector.broadcast %div3A_65 : vector<1x4096xf32> to vector<64x4096xf32>
    %sub3A_66 = arith.subf %mul3A, %sub3A : vector<64x4096xf32>
    %mul3A_67 = arith.mulf %sub3A_66, %sub3A_66 : vector<64x4096xf32>
    %reduce_sum3A_68 = arith.constant dense<0.000000e+00> : vector<4096xf32>
    %reduce_sum3A_69 = vector.multi_reduction <add>, %mul3A_67, %reduce_sum3A_68 [0] : vector<64x4096xf32> to vector<4096xf32>
    %broadcast_in_dim3A_70 = vector.shape_cast %reduce_sum3A_69 : vector<4096xf32> to vector<1x4096xf32>
    %div3A_71 = arith.constant 6.400000e+01 : f32
    %div3A_72 = vector.broadcast %div3A_71 : f32 to vector<1x4096xf32>
    %div3A_73 = arith.divf %broadcast_in_dim3A_70, %div3A_72 : vector<1x4096xf32>
    %add3A_74 = arith.constant 9.99999974E-6 : f32
    %add3A_75 = vector.broadcast %add3A_74 : f32 to vector<1x4096xf32>
    %add3A_76 = arith.addf %div3A_73, %add3A_75 : vector<1x4096xf32>
    %rsqrt3A = math.rsqrt %add3A_76 : vector<1x4096xf32>
    %mul3A_77 = vector.broadcast %rsqrt3A : vector<1x4096xf32> to vector<64x4096xf32>
    %mul3A_78 = arith.mulf %sub3A_66, %mul3A_77 : vector<64x4096xf32>
    %get3A_79 = arith.constant 0 : index
    %get3A_80 = arith.constant 0 : index
    %get3A_81 = vector.load %arg10[%get3A_79, %get3A_80] : memref<64x1xf32, #tpu.memory_space<vmem>>, vector<64x1xf32>
    %mul3A_82 = vector.broadcast %get3A_81 : vector<64x1xf32> to vector<64x4096xf32>
    %mul3A_83 = arith.mulf %mul3A_78, %mul3A_82 : vector<64x4096xf32>
    %get3A_84 = arith.constant 0 : index
    %get3A_85 = arith.constant 0 : index
    %get3A_86 = vector.load %arg11[%get3A_84, %get3A_85] : memref<64x1xf32, #tpu.memory_space<vmem>>, vector<64x1xf32>
    %add3A_87 = vector.broadcast %get3A_86 : vector<64x1xf32> to vector<64x4096xf32>
    %add3A_88 = arith.addf %mul3A_83, %add3A_87 : vector<64x4096xf32>
    %swap3A = arith.constant 0 : index
    %swap3A_89 = arith.constant 0 : index
    %swap3A_90 = vector.load %arg13[%swap3A, %swap3A_89] : memref<64x4096xf32, #tpu.memory_space<vmem>>, vector<64x4096xf32>
    tpu.vector_store %arg13[%swap3A, %swap3A_89], %add3A_88 {strides = array<i32>} : memref<64x4096xf32, #tpu.memory_space<vmem>>, vector<64x4096xf32>,
    return
  }
  func.func @transform_0(%arg0: i32) -> (i32, i32) {
    %c0_i32 = arith.constant 0 : i32
    %c0_i32_0 = arith.constant 0 : i32
    return %arg0, %c0_i32 : i32, i32
  }
  func.func @transform_1(%arg0: i32) -> (i32, i32) {
    %add3A = arith.constant 12 : i32
    %add3A_0 = arith.addi %add3A, %arg0 : i32
    %c0_i32 = arith.constant 0 : i32
    %c0_i32_1 = arith.constant 0 : i32
    return %c0_i32, %add3A_0 : i32, i32
  }
  func.func @transform_2(%arg0: i32) -> (i32, i32) {
    %add3A = arith.constant 12 : i32
    %add3A_0 = arith.addi %add3A, %arg0 : i32
    %c0_i32 = arith.constant 0 : i32
    %c0_i32_1 = arith.constant 0 : i32
    return %c0_i32, %add3A_0 : i32, i32
  }
  func.func @transform_3(%arg0: i32) -> (i32, i32) {
    %add3A = arith.constant 12 : i32
    %add3A_0 = arith.addi %add3A, %arg0 : i32
    %c0_i32 = arith.constant 0 : i32
    %c0_i32_1 = arith.constant 0 : i32
    return %c0_i32, %add3A_0 : i32, i32
  }
  func.func @transform_4(%arg0: i32) -> (i32, i32) {
    %c0_i32 = arith.constant 0 : i32
    %c0_i32_0 = arith.constant 0 : i32
    %c0_i32_1 = arith.constant 0 : i32
    return %c0_i32, %c0_i32_0 : i32, i32
  }
  func.func @transform_5(%arg0: i32) -> (i32, i32) {
    %c0_i32 = arith.constant 0 : i32
    %c0_i32_0 = arith.constant 0 : i32
    %c0_i32_1 = arith.constant 0 : i32
    return %c0_i32, %c0_i32_0 : i32, i32
  }
  func.func @transform_6(%arg0: i32) -> (i32, i32) {
    %c0_i32 = arith.constant 0 : i32
    %c0_i32_0 = arith.constant 0 : i32
    %c0_i32_1 = arith.constant 0 : i32
    return %c0_i32, %c0_i32_0 : i32, i32
  }
  func.func @transform_7(%arg0: i32) -> (i32, i32) {
    %c0_i32 = arith.constant 0 : i32
    %c0_i32_0 = arith.constant 0 : i32
    %c0_i32_1 = arith.constant 0 : i32
    return %c0_i32, %c0_i32_0 : i32, i32
  }
  func.func @transform_8(%arg0: i32) -> (i32, i32) {
    %c0_i32 = arith.constant 0 : i32
    %c0_i32_0 = arith.constant 0 : i32
    %c0_i32_1 = arith.constant 0 : i32
    return %c0_i32, %c0_i32_0 : i32, i32
  }
  func.func @transform_9(%arg0: i32) -> (i32, i32) {
    %c0_i32 = arith.constant 0 : i32
    %c0_i32_0 = arith.constant 0 : i32
    %c0_i32_1 = arith.constant 0 : i32
    return %c0_i32, %c0_i32_0 : i32, i32
  }
  func.func @transform_10(%arg0: i32) -> (i32, i32) {
    %c0_i32 = arith.constant 0 : i32
    %c0_i32_0 = arith.constant 0 : i32
    %c0_i32_1 = arith.constant 0 : i32
    return %c0_i32, %c0_i32_0 : i32, i32
  }
  func.func @transform_12(%arg0: i32) -> (i32, i32) {
    %add3A = arith.constant 12 : i32
    %add3A_0 = arith.addi %add3A, %arg0 : i32
    %c0_i32 = arith.constant 0 : i32
    %c0_i32_1 = arith.constant 0 : i32
    return %c0_i32, %add3A_0 : i32, i32
  }
}

module attributes {stable_mosaic.version = 14 : i64} {
  func.func @_tc_body_carry(%arg0: i32, %arg1: memref<1024x128xf32, #tpu.memory_space<vmem>>, %arg2: memref<140x4096xf32, #tpu.memory_space<vmem>>, %arg3: memref<74x4096xf32, #tpu.memory_space<vmem>>, %arg4: memref<18x4096xf32, #tpu.memory_space<vmem>>, %arg5: memref<32x64xf32, #tpu.memory_space<vmem>>, %arg6: memref<140x64xf32, #tpu.memory_space<vmem>>, %arg7: memref<74x64xf32, #tpu.memory_space<vmem>>, %arg8: memref<18x64xf32, #tpu.memory_space<vmem>>, %arg9: memref<64x1xf32, #tpu.memory_space<vmem>>, %arg10: memref<64x1xf32, #tpu.memory_space<vmem>>, %arg11: memref<64x1xf32, #tpu.memory_space<vmem>>, %arg12: memref<64x100000xf32, #tpu.memory_space<any>>, %arg13: memref<64x4096xf32, #tpu.memory_space<vmem>>) attributes {dimension_semantics = [#tpu.dimension_semantics<arbitrary>], iteration_bounds = array<i64: 7>, scalar_prefetch = 0 : i64, scratch_operands = 0 : i64, tpu.core_type = #tpu.core_type<tc>, window_params = [{transform_indices = @transform_0, window_bounds = array<i64: 1024, 128>}, {transform_indices = @transform_1, window_bounds = array<i64: 140, 4096>}, {transform_indices = @transform_2, window_bounds = array<i64: 74, 4096>}, {transform_indices = @transform_3, window_bounds = array<i64: 18, 4096>}, {pipeline_mode = #tpu.pipeline_mode<synchronous>, transform_indices = @transform_4, window_bounds = array<i64: 32, 64>}, {pipeline_mode = #tpu.pipeline_mode<synchronous>, transform_indices = @transform_5, window_bounds = array<i64: 140, 64>}, {pipeline_mode = #tpu.pipeline_mode<synchronous>, transform_indices = @transform_6, window_bounds = array<i64: 74, 64>}, {pipeline_mode = #tpu.pipeline_mode<synchronous>, transform_indices = @transform_7, window_bounds = array<i64: 18, 64>}, {pipeline_mode = #tpu.pipeline_mode<synchronous>, transform_indices = @transform_8, window_bounds = array<i64: 64, 1>}, {pipeline_mode = #tpu.pipeline_mode<synchronous>, transform_indices = @transform_9, window_bounds = array<i64: 64, 1>}, {pipeline_mode = #tpu.pipeline_mode<synchronous>, transform_indices = @transform_10, window_bounds = array<i64: 64, 1>}, {}, {transform_indices = @transform_12, window_bounds = array<i64: 64, 4096>}]} {
    %get3A = arith.constant 0 : index
    %get3A_0 = arith.constant 0 : index
    %get3A_1 = vector.load %arg6[%get3A, %get3A_0] : memref<140x64xf32, #tpu.memory_space<vmem>>, vector<140x64xf32>
    %get3A_2 = arith.constant 0 : index
    %get3A_3 = arith.constant 0 : index
    %get3A_4 = vector.load %arg2[%get3A_2, %get3A_3] : memref<140x4096xf32, #tpu.memory_space<vmem>>, vector<140x4096xf32>
    %dot_general3A = arith.constant dense<0.000000e+00> : vector<64x4096xf32>
    %dot_general3A_5 = tpu.matmul %get3A_1, %get3A_4, %dot_general3A {dimension_numbers = #tpu.dot_dimension_numbers<[0], [0], [1], [1], [0, 1, 1, 1], [], []>, transpose_lhs_hint = false} : vector<140x64xf32>, vector<140x4096xf32>, vector<64x4096xf32> -> vector<64x4096xf32>
    %get3A_6 = arith.constant 0 : index
    %get3A_7 = arith.constant 0 : index
    %get3A_8 = vector.load %arg7[%get3A_6, %get3A_7] : memref<74x64xf32, #tpu.memory_space<vmem>>, vector<74x64xf32>
    %get3A_9 = arith.constant 0 : index
    %get3A_10 = arith.constant 0 : index
    %get3A_11 = vector.load %arg3[%get3A_9, %get3A_10] : memref<74x4096xf32, #tpu.memory_space<vmem>>, vector<74x4096xf32>
    %dot_general3A_12 = arith.constant dense<0.000000e+00> : vector<64x4096xf32>
    %dot_general3A_13 = tpu.matmul %get3A_8, %get3A_11, %dot_general3A_12 {dimension_numbers = #tpu.dot_dimension_numbers<[0], [0], [1], [1], [0, 1, 1, 1], [], []>, transpose_lhs_hint = false} : vector<74x64xf32>, vector<74x4096xf32>, vector<64x4096xf32> -> vector<64x4096xf32>
    %add3A = arith.addf %dot_general3A_5, %dot_general3A_13 : vector<64x4096xf32>
    %get3A_14 = arith.constant 0 : index
    %get3A_15 = arith.constant 0 : index
    %get3A_16 = vector.load %arg8[%get3A_14, %get3A_15] : memref<18x64xf32, #tpu.memory_space<vmem>>, vector<18x64xf32>
    %get3A_17 = arith.constant 0 : index
    %get3A_18 = arith.constant 0 : index
    %get3A_19 = vector.load %arg4[%get3A_17, %get3A_18] : memref<18x4096xf32, #tpu.memory_space<vmem>>, vector<18x4096xf32>
    %dot_general3A_20 = arith.constant dense<0.000000e+00> : vector<64x4096xf32>
    %dot_general3A_21 = tpu.matmul %get3A_16, %get3A_19, %dot_general3A_20 {dimension_numbers = #tpu.dot_dimension_numbers<[0], [0], [1], [1], [0, 1, 1, 1], [], []>, transpose_lhs_hint = false} : vector<18x64xf32>, vector<18x4096xf32>, vector<64x4096xf32> -> vector<64x4096xf32>
    %add3A_22 = arith.addf %add3A, %dot_general3A_21 : vector<64x4096xf32>
    %get3A_23 = arith.constant 0 : index
    %get3A_24 = arith.constant 0 : index
    %get3A_25 = vector.load %arg1[%get3A_23, %get3A_24] : memref<1024x128xf32, #tpu.memory_space<vmem>>, vector<1024x128xf32>
    %get3A_26 = arith.constant 0 : index
    %get3A_27 = arith.constant 0 : index
    %get3A_28 = vector.load %arg5[%get3A_26, %get3A_27] : memref<32x64xf32, #tpu.memory_space<vmem>>, vector<32x64xf32>
    %slice3A = vector.extract_strided_slice %get3A_25 {offsets = [0, 0], sizes = [1024, 32], strides = [1, 1]} : vector<1024x128xf32> to vector<1024x32xf32>
    %dot_general3A_29 = arith.constant dense<0.000000e+00> : vector<64x1024xf32>
    %dot_general3A_30 = tpu.matmul %get3A_28, %slice3A, %dot_general3A_29 {dimension_numbers = #tpu.dot_dimension_numbers<[0], [1], [1], [0], [0, 1, 1, 0], [], []>, transpose_lhs_hint = false} : vector<32x64xf32>, vector<1024x32xf32>, vector<64x1024xf32> -> vector<64x1024xf32>
    %get3A_31 = arith.constant 0 : index
    %get3A_32 = arith.constant 0 : index
    %get3A_33 = vector.load %arg5[%get3A_31, %get3A_32] : memref<32x64xf32, #tpu.memory_space<vmem>>, vector<32x64xf32>
    %slice3A_34 = vector.extract_strided_slice %get3A_25 {offsets = [0, 32], sizes = [1024, 32], strides = [1, 1]} : vector<1024x128xf32> to vector<1024x32xf32>
    %dot_general3A_35 = arith.constant dense<0.000000e+00> : vector<64x1024xf32>
    %dot_general3A_36 = tpu.matmul %get3A_33, %slice3A_34, %dot_general3A_35 {dimension_numbers = #tpu.dot_dimension_numbers<[0], [1], [1], [0], [0, 1, 1, 0], [], []>, transpose_lhs_hint = false} : vector<32x64xf32>, vector<1024x32xf32>, vector<64x1024xf32> -> vector<64x1024xf32>
    %get3A_37 = arith.constant 0 : index
    %get3A_38 = arith.constant 0 : index
    %get3A_39 = vector.load %arg5[%get3A_37, %get3A_38] : memref<32x64xf32, #tpu.memory_space<vmem>>, vector<32x64xf32>
    %slice3A_40 = vector.extract_strided_slice %get3A_25 {offsets = [0, 64], sizes = [1024, 32], strides = [1, 1]} : vector<1024x128xf32> to vector<1024x32xf32>
    %dot_general3A_41 = arith.constant dense<0.000000e+00> : vector<64x1024xf32>
    %dot_general3A_42 = tpu.matmul %get3A_39, %slice3A_40, %dot_general3A_41 {dimension_numbers = #tpu.dot_dimension_numbers<[0], [1], [1], [0], [0, 1, 1, 0], [], []>, transpose_lhs_hint = false} : vector<32x64xf32>, vector<1024x32xf32>, vector<64x1024xf32> -> vector<64x1024xf32>
    %get3A_43 = arith.constant 0 : index
    %get3A_44 = arith.constant 0 : index
    %get3A_45 = vector.load %arg5[%get3A_43, %get3A_44] : memref<32x64xf32, #tpu.memory_space<vmem>>, vector<32x64xf32>
    %slice3A_46 = vector.extract_strided_slice %get3A_25 {offsets = [0, 96], sizes = [1024, 32], strides = [1, 1]} : vector<1024x128xf32> to vector<1024x32xf32>
    %dot_general3A_47 = arith.constant dense<0.000000e+00> : vector<64x1024xf32>
    %dot_general3A_48 = tpu.matmul %get3A_45, %slice3A_46, %dot_general3A_47 {dimension_numbers = #tpu.dot_dimension_numbers<[0], [1], [1], [0], [0, 1, 1, 0], [], []>, transpose_lhs_hint = false} : vector<32x64xf32>, vector<1024x32xf32>, vector<64x1024xf32> -> vector<64x1024xf32>
    %concatenate3A = tpu.concatenate %dot_general3A_30, %dot_general3A_36, %dot_general3A_42, %dot_general3A_48 in 1 : vector<64x1024xf32>, vector<64x1024xf32>, vector<64x1024xf32>, vector<64x1024xf32> -> vector<64x4096xf32>
    %add3A_49 = arith.addf %add3A_22, %concatenate3A : vector<64x4096xf32>
    %get3A_50 = arith.constant 0 : index
    %get3A_51 = arith.constant 0 : index
    %get3A_52 = vector.load %arg9[%get3A_50, %get3A_51] : memref<64x1xf32, #tpu.memory_space<vmem>>, vector<64x1xf32>
    %add3A_53 = vector.broadcast %get3A_52 : vector<64x1xf32> to vector<64x4096xf32>
    %add3A_54 = arith.addf %add3A_49, %add3A_53 : vector<64x4096xf32>
    %neg3A = arith.constant 0.000000e+00 : f32
    %neg3A_55 = vector.broadcast %neg3A : f32 to vector<64x4096xf32>
    %neg3A_56 = arith.subf %neg3A_55, %add3A_54 : vector<64x4096xf32>
    %exp3A = math.exp %neg3A_56 : vector<64x4096xf32>
    %add3A_57 = arith.constant 1.000000e+00 : f32
    %add3A_58 = vector.broadcast %add3A_57 : f32 to vector<64x4096xf32>
    %add3A_59 = arith.addf %add3A_58, %exp3A : vector<64x4096xf32>
    %div3A = arith.constant 1.000000e+00 : f32
    %div3A_60 = vector.broadcast %div3A : f32 to vector<64x4096xf32>
    %div3A_61 = arith.divf %div3A_60, %add3A_59 : vector<64x4096xf32>
    %mul3A = arith.mulf %add3A_54, %div3A_61 : vector<64x4096xf32>
    %reduce_sum3A = arith.constant dense<0.000000e+00> : vector<4096xf32>
    %reduce_sum3A_62 = vector.multi_reduction <add>, %mul3A, %reduce_sum3A [0] : vector<64x4096xf32> to vector<4096xf32>
    %broadcast_in_dim3A = vector.shape_cast %reduce_sum3A_62 : vector<4096xf32> to vector<1x4096xf32>
    %div3A_63 = arith.constant 6.400000e+01 : f32
    %div3A_64 = vector.broadcast %div3A_63 : f32 to vector<1x4096xf32>
    %div3A_65 = arith.divf %broadcast_in_dim3A, %div3A_64 : vector<1x4096xf32>
    %sub3A = vector.broadcast %div3A_65 : vector<1x4096xf32> to vector<64x4096xf32>
    %sub3A_66 = arith.subf %mul3A, %sub3A : vector<64x4096xf32>
    %mul3A_67 = arith.mulf %sub3A_66, %sub3A_66 : vector<64x4096xf32>
    %reduce_sum3A_68 = arith.constant dense<0.000000e+00> : vector<4096xf32>
    %reduce_sum3A_69 = vector.multi_reduction <add>, %mul3A_67, %reduce_sum3A_68 [0] : vector<64x4096xf32> to vector<4096xf32>
    %broadcast_in_dim3A_70 = vector.shape_cast %reduce_sum3A_69 : vector<4096xf32> to vector<1x4096xf32>
    %div3A_71 = arith.constant 6.400000e+01 : f32
    %div3A_72 = vector.broadcast %div3A_71 : f32 to vector<1x4096xf32>
    %div3A_73 = arith.divf %broadcast_in_dim3A_70, %div3A_72 : vector<1x4096xf32>
    %add3A_74 = arith.constant 9.99999974E-6 : f32
    %add3A_75 = vector.broadcast %add3A_74 : f32 to vector<1x4096xf32>
    %add3A_76 = arith.addf %div3A_73, %add3A_75 : vector<1x4096xf32>
    %rsqrt3A = math.rsqrt %add3A_76 : vector<1x4096xf32>
    %mul3A_77 = vector.broadcast %rsqrt3A : vector<1x4096xf32> to vector<64x4096xf32>
    %mul3A_78 = arith.mulf %sub3A_66, %mul3A_77 : vector<64x4096xf32>
    %get3A_79 = arith.constant 0 : index
    %get3A_80 = arith.constant 0 : index
    %get3A_81 = vector.load %arg10[%get3A_79, %get3A_80] : memref<64x1xf32, #tpu.memory_space<vmem>>, vector<64x1xf32>
    %mul3A_82 = vector.broadcast %get3A_81 : vector<64x1xf32> to vector<64x4096xf32>
    %mul3A_83 = arith.mulf %mul3A_78, %mul3A_82 : vector<64x4096xf32>
    %get3A_84 = arith.constant 0 : index
    %get3A_85 = arith.constant 0 : index
    %get3A_86 = vector.load %arg11[%get3A_84, %get3A_85] : memref<64x1xf32, #tpu.memory_space<vmem>>, vector<64x1xf32>
    %add3A_87 = vector.broadcast %get3A_86 : vector<64x1xf32> to vector<64x4096xf32>
    %add3A_88 = arith.addf %mul3A_83, %add3A_87 : vector<64x4096xf32>
    %swap3A = arith.constant 0 : index
    %swap3A_89 = arith.constant 0 : index
    %swap3A_90 = vector.load %arg13[%swap3A, %swap3A_89] : memref<64x4096xf32, #tpu.memory_space<vmem>>, vector<64x4096xf32>
    tpu.vector_store %arg13[%swap3A, %swap3A_89], %add3A_88 {strides = array<i32>} : memref<64x4096xf32, #tpu.memory_space<vmem>>, vector<64x4096xf32>,
    return
  }
  func.func @transform_0(%arg0: i32) -> (i32, i32) {
    %c0_i32 = arith.constant 0 : i32
    %c0_i32_0 = arith.constant 0 : i32
    return %arg0, %c0_i32 : i32, i32
  }
  func.func @transform_1(%arg0: i32) -> (i32, i32) {
    %add3A = arith.constant 18 : i32
    %add3A_0 = arith.addi %add3A, %arg0 : i32
    %c0_i32 = arith.constant 0 : i32
    %c0_i32_1 = arith.constant 0 : i32
    return %c0_i32, %add3A_0 : i32, i32
  }
  func.func @transform_2(%arg0: i32) -> (i32, i32) {
    %add3A = arith.constant 18 : i32
    %add3A_0 = arith.addi %add3A, %arg0 : i32
    %c0_i32 = arith.constant 0 : i32
    %c0_i32_1 = arith.constant 0 : i32
    return %c0_i32, %add3A_0 : i32, i32
  }
  func.func @transform_3(%arg0: i32) -> (i32, i32) {
    %add3A = arith.constant 18 : i32
    %add3A_0 = arith.addi %add3A, %arg0 : i32
    %c0_i32 = arith.constant 0 : i32
    %c0_i32_1 = arith.constant 0 : i32
    return %c0_i32, %add3A_0 : i32, i32
  }
  func.func @transform_4(%arg0: i32) -> (i32, i32) {
    %c0_i32 = arith.constant 0 : i32
    %c0_i32_0 = arith.constant 0 : i32
    %c0_i32_1 = arith.constant 0 : i32
    return %c0_i32, %c0_i32_0 : i32, i32
  }
  func.func @transform_5(%arg0: i32) -> (i32, i32) {
    %c0_i32 = arith.constant 0 : i32
    %c0_i32_0 = arith.constant 0 : i32
    %c0_i32_1 = arith.constant 0 : i32
    return %c0_i32, %c0_i32_0 : i32, i32
  }
  func.func @transform_6(%arg0: i32) -> (i32, i32) {
    %c0_i32 = arith.constant 0 : i32
    %c0_i32_0 = arith.constant 0 : i32
    %c0_i32_1 = arith.constant 0 : i32
    return %c0_i32, %c0_i32_0 : i32, i32
  }
  func.func @transform_7(%arg0: i32) -> (i32, i32) {
    %c0_i32 = arith.constant 0 : i32
    %c0_i32_0 = arith.constant 0 : i32
    %c0_i32_1 = arith.constant 0 : i32
    return %c0_i32, %c0_i32_0 : i32, i32
  }
  func.func @transform_8(%arg0: i32) -> (i32, i32) {
    %c0_i32 = arith.constant 0 : i32
    %c0_i32_0 = arith.constant 0 : i32
    %c0_i32_1 = arith.constant 0 : i32
    return %c0_i32, %c0_i32_0 : i32, i32
  }
  func.func @transform_9(%arg0: i32) -> (i32, i32) {
    %c0_i32 = arith.constant 0 : i32
    %c0_i32_0 = arith.constant 0 : i32
    %c0_i32_1 = arith.constant 0 : i32
    return %c0_i32, %c0_i32_0 : i32, i32
  }
  func.func @transform_10(%arg0: i32) -> (i32, i32) {
    %c0_i32 = arith.constant 0 : i32
    %c0_i32_0 = arith.constant 0 : i32
    %c0_i32_1 = arith.constant 0 : i32
    return %c0_i32, %c0_i32_0 : i32, i32
  }
  func.func @transform_12(%arg0: i32) -> (i32, i32) {
    %add3A = arith.constant 18 : i32
    %add3A_0 = arith.addi %add3A, %arg0 : i32
    %c0_i32 = arith.constant 0 : i32
    %c0_i32_1 = arith.constant 0 : i32
    return %c0_i32, %add3A_0 : i32, i32
  }
}

</mosaic_0001>

<sc_bundles>
// kernel: gather_offload_async_start
scs
__scs_entry_jumppad:
0x0: {  	(pc) =	sbr.rel $0x88, $3  }
0x1: {  	(tag) =	ssettag $0x0;
	lr =	simm.s32 $0x1  }
0x2: {  	[smem:$0x3F98] =	sst lr;
	_ =	strace $0xD0000000  }
0x3: {  	_ = 	snop  }
0x4: {  	_ = 	snop  }
0x5: {  	_ = 	snop  }
0x6: {  	_ = 	snop  }
0x7: {  	_ = 	snop  }
__scs_overlays_trampoline_lowered:
0x8: {  	[smem:$0x3FA7] =	sst s0  }
0x9: {  	[smem:$0x3FA8] =	sst s1  }
0xa: {  	[smem:$0x3FA9] =	sst s2  }
0xb: {  	[smem:$0x3FAA] =	sst s3  }
0xc: {  	[smem:$0x3FAB] =	sst s4  }
0xd: {  	[smem:$0x3FAC] =	sst s5  }
0xe: {  	[smem:$0x3FAD] =	sst s6  }
0xf: {  	[smem:$0x3FAE] =	sst s7  }
0x10: {  	[smem:$0x3FAF] =	sst s8  }
0x11: {  	[smem:$0x3FB0] =	sst s9;
	s0 =	simm.s32 @!p0 $0x0  }
0x12: {  	s1 =	sld [smem:$0x3F96];
	s0 =	simm.s32 @p0 $0x1  }
0x13: {  	[smem:$0x3FB1] =	sst s0;
	s0 =	simm.s32 @!p1 $0x0  }
0x14: {  	s2 =	sld [smem:$0x3F95];
	s0 =	simm.s32 @p1 $0x1  }
0x15: {  	[smem:$0x3FB2] =	sst s0;
	s0 =	simm.s32 @!p2 $0x0  }
0x16: {  	s3 =	sld [smem:$0x3FDB];
	s0 =	simm.s32 @p2 $0x1  }
0x17: {  	s4 =	simm.s32 $0x1BF5;
	[smem:$0x3FB4] =	sst s0  }
0x18: {  	s0 =	sld [smem:$0x3F97];
	_ =	swait.ge [sflag:s4], $0x0  }
0x19: {  	s7 =	sld [smem:$0x3F98]  }
0x1a: {  	s8 =	sadd.s32 $0xFFFFE003, lr  }
0x1b: {  	s9 =	sadd.s32 $0xFFFFFEF7, lr;
	s5 =	simm.s32 $0xFFFFFFFF;
	p2 =	slt.u32 s8, $0xFFFFF086  }
0x1c: {  	p1 =	slt.u32 s9, $0xF7A;
	s5 =	simm.s32 @!p2 $0x0  }
0x1d: {  	s5 =	simm.s32 @p1 $0x1;
	p0 =	seq.s32 s7, s2  }
0x1e: {  	s7 =	smul.u32 @!p0 $0xF7A, s2;
	p2 =	seq.s32 @!p0 s5, $0x0  }
0x1f: {  	s9 =	smul.u32 $0xF7A, s1;
	s8 =	simm.s32 @!p0 $0x1BF5;
	p2 =	por !p2, p0  }
0x20: {  	[sflag:s8] =	ssyncset.s32 @!p0 $0xFFFFF086;
	s6 =	sadd.s32 @!p0 s3, s7;
	s7 =	simm.s32 @!p0 $0x108  }
0x21: {  	s3 =	sadd.s32 s3, s9;
	s6 =	sadd.s32 @!p0 $0x88, s6;
	s7 =	simm.s32 @p2 $0x1082  }
0x22: {  	[simem:s7], [sflag:s8] =	dma.local @!p0 [hbm:s6], $0xF7A  }
0x23: {  	s9 =	sor.u32 $0xD0000000, s2;
	s6 =	simm.s32 $0x108;
	_ =	swait.ge @!p0 [sflag:s8], $0x0  }
0x24: {  	s3 =	sadd.s32 $0x88, s3;
	s6 =	simm.s32 @!p1 $0x1082;
	[sflag:s4] =	ssyncset.s32 $0xFFFFF086  }
0x25: {  	[simem:s6], [sflag:s4] =	dma.local [hbm:s3], $0xF7A  }
0x26: {  	[smem:$0x3F98] =	sst s1;
	(tag) =	ssettag s2;
	_ =	strace s9  }
0x27: {  	s1 =	sld [smem:$0x3FA8]  }
0x28: {  	s2 =	sld [smem:$0x3FA9]  }
0x29: {  	s4 =	sld [smem:$0x3FAB]  }
0x2a: {  	p0 =	seq.s32 s5, $0x0;
	s5 =	sld [smem:$0x3FAC]  }
0x2b: {  	s6 =	sld [smem:$0x3FAD]  }
0x2c: {  	s7 =	sld [smem:$0x3FAE]  }
0x2d: {  	s3 =	simm.s32 $0x108;
	s8 =	sld [smem:$0x3FAF]  }
0x2e: {  	s3 =	simm.s32 @!p0 $0x1082;
	s9 =	sld [smem:$0x3FB0]  }
0x2f: {  	lr =	sadd.s32 s0, s3;
	s0 =	sld [smem:$0x3FA7]  }
0x30: {  	s3 =	sld [smem:$0x3FAA]  }
0x31: {  	[smem:$0x3FB3] =	sst s10  }
0x32: {  	s10 =	sld [smem:$0x3FB1];
	_ =	sdelay $0x3  }
0x33: {  	p0 =	seq.s32 s10, $0x1;
	s10 =	sld [smem:$0x3FB3];
	_ =	sdelay $0x3  }
0x34: {  	[smem:$0x3FB3] =	sst s10  }
0x35: {  	s10 =	sld [smem:$0x3FB2];
	_ =	sdelay $0x3  }
0x36: {  	p1 =	seq.s32 s10, $0x1;
	s10 =	sld [smem:$0x3FB3];
	_ =	sdelay $0x3  }
0x37: {  	[smem:$0x3FB3] =	sst s10  }
0x38: {  	s10 =	sld [smem:$0x3FB4]  }
0x39: {  	_ = 	snop;
	(pc) =	sbr.ind lr, $3  }
0x3a: {  	_ = 	snop  }
0x3b: {  	_ = 	snop  }
0x3c: {  	p2 =	seq.s32 s10, $0x1;
	s10 =	sld [smem:$0x3FB3]  }
0x3d: {  	_ =	shalt  }
0x3e: {  	_ =	shalt  }
0x3f: {  	_ =	shalt  }
0x40: {  	_ =	shalt  }
0x41: {  	_ =	shalt  }
0x42: {  	_ =	shalt  }
0x43: {  	_ =	shalt  }
0x44: {  	_ =	shalt  }
0x45: {  	_ =	shalt  }
0x46: {  	_ =	shalt  }
0x47: {  	_ =	shalt  }
0x48: {  	_ =	shalt  }
0x49: {  	_ =	shalt  }
0x4a: {  	_ =	shalt  }
0x4b: {  	_ =	shalt  }
0x4c: {  	_ =	shalt  }
0x4d: {  	_ =	shalt  }
0x4e: {  	_ =	shalt  }
0x4f: {  	_ =	shalt  }
0x50: {  	_ =	shalt  }
0x51: {  	_ =	shalt  }
0x52: {  	_ =	shalt  }
0x53: {  	_ =	shalt  }
0x54: {  	_ =	shalt  }
0x55: {  	_ =	shalt  }
0x56: {  	_ =	shalt  }
0x57: {  	_ =	shalt  }
0x58: {  	_ =	shalt  }
0x59: {  	_ =	shalt  }
0x5a: {  	_ =	shalt  }
0x5b: {  	_ =	shalt  }
0x5c: {  	_ =	shalt  }
0x5d: {  	_ =	shalt  }
0x5e: {  	_ =	shalt  }
0x5f: {  	_ =	shalt  }
0x60: {  	_ =	shalt  }
0x61: {  	_ =	shalt  }
0x62: {  	_ =	shalt  }
0x63: {  	_ =	shalt  }
0x64: {  	_ =	shalt  }
0x65: {  	_ =	shalt  }
0x66: {  	_ =	shalt  }
0x67: {  	_ =	shalt  }
0x68: {  	_ =	shalt  }
0x69: {  	_ =	shalt  }
0x6a: {  	_ =	shalt  }
0x6b: {  	_ =	shalt  }
0x6c: {  	_ =	shalt  }
0x6d: {  	_ =	shalt  }
0x6e: {  	_ =	shalt  }
0x6f: {  	_ =	shalt  }
0x70: {  	_ =	shalt  }
0x71: {  	_ =	shalt  }
0x72: {  	_ =	shalt  }
0x73: {  	_ =	shalt  }
0x74: {  	_ =	shalt  }
0x75: {  	_ =	shalt  }
0x76: {  	_ =	shalt  }
0x77: {  	_ =	shalt  }
0x78: {  	_ =	shalt  }
0x79: {  	_ =	shalt  }
0x7a: {  	_ =	shalt  }
0x7b: {  	_ =	shalt  }
0x7c: {  	_ =	shalt  }
0x7d: {  	_ =	shalt  }
0x7e: {  	_ =	shalt  }
0x7f: {  	_ =	shalt  }
0x80: {  	_ =	shalt  }
0x81: {  	_ =	shalt  }
0x82: {  	_ =	shalt  }
0x83: {  	_ =	shalt  }
0x84: {  	_ =	shalt  }
0x85: {  	_ =	shalt  }
0x86: {  	_ =	shalt  }
0x87: {  	_ =	shalt  }
.Lfunc_end0:
.L_simem_size_0:
called_computation_lowered:
.L_overlay_start_0:
0x88: {  	s2 =	sld [smem:$0x3FD9]  }
0x89: {  	s3 =	sld [smem:$0x3FFE];
	_ =	sdelay $0x1  }
0x8a: {  	s1 =	srdreg.scid  }
0x8b: {  	s0 =	sand.u32 $0x1, s1  }
0x8c: {  	s17 =	sshll.u32 s0, $0xA;
	s2 =	sadd.s32 s3, s2  }
0x8d: {  	s2 =	sadd.s32 s2, s17  }
0x8e: {  	[smem:$0x3FBF] =	sst s2  }
0x8f: {  	_ = 	snop  }
0x90: {  	s2 =	sld [smem:$0x3FD0];
	(tm) =	ssettm $0x1  }
0x91: {  	s18 =	sld [smem:$0x3FFB];
	_ =	sdelay $0x3  }
0x92: {  	_ =	strace s18  }
0x93: {  	s3 =	sld [smem:$0x3FFC];
	_ =	sdelay $0x3  }
0x94: {  	_ =	strace s3  }
0x95: {  	s3 =	sld [smem:$0x3FFD];
	_ =	sdelay $0x3  }
0x96: {  	_ =	strace s3  }
0x97: {  	_ =	strace $0x8FFFFFFF  }
0x98: {  	s19 =	sld [smem:$0x3FDB];
	_ =	sdelay $0x1  }
0x99: {  	s4 =	simm.s32 $_scs_section_size  }
0x9a: {  	s5 =	simm.s32 $_size__tile_overlayer_lowered;
	s6 =	simm.s32 $_tile_overlayer_lowered  }
0x9b: {  	s22 =	simm.s32 $0x1BFF;
	s21 =	sshll.u32 s6, $0x1;
	s3 =	sadd.s32 s4, s19  }
0x9c: {  	s7 =	simm.s32 $0x0;
	s20 =	sshll.u32 s5, $0x1;
	s5 =	sadd.s32 s21, s3  }
0x9d: {  	[timem:s7], [sflag:s22] =	dma.local [hbm:s5], s20  }
0x9e: {  	_ =	swait.ge [sflag:s22], s20  }
0x9f: {  	s4 =	ssub.s32 $0x0, s20;
	[sflag:s22] =	ssyncset.done $0x0  }
0xa0: {  	[sflag:s22] =	ssyncadd.s32 s4;
	_ =	sdelay $0x1  }
0xa1: {  	s23 =	simm.s32 $0x1B8B  }
0xa2: {  	_ =	swait.ge [sflag:s23], $0x1  }
0xa3: {  	[sflag:s23] =	ssyncset.done $0x0  }
0xa4: {  	s25 =	simm.s32 $0x1B8E;
	s24 =	sld [smem:$0x3FFE];
	[sflag:s23] =	ssyncadd.s32 $0xFFFFFFFF  }
0xa5: {  	s26 =	simm.s32 $execute0_lowered;
	[smem:$0x3FD2] =	sst s25  }
0xa6: {  	s5 =	sshll.u32 s26, $0x1;
	_ =	strace $0x80000046;
	[dreg:$0x1] =	wrdreg $0xFFFFFFFF  }
0xa7: {  	s28 =	simm.s32 $_size_execute0_lowered;
	s3 =	sadd.s32 s3, s5;
	[dreg:$0x0] =	wrdreg $0x0  }
0xa8: {  	s5 =	sshll.u32 s28, $0x1;
	[dreg:$0x2] =	wrdreg s3  }
0xa9: {  	[dreg:$0x3] =	wrdreg s5  }
0xaa: {  	[dreg:$0x4] =	wrdreg $0xC0  }
0xab: {  	_ =	task [dreg:s7], $0x5FFFF  }
0xac: {  	[dreg:$0x1] =	wrdreg $0xFFFFFFFF  }
0xad: {  	[dreg:$0x0] =	wrdreg $0x60  }
0xae: {  	[dreg:$0x2] =	wrdreg s2  }
0xaf: {  	[dreg:$0x3] =	wrdreg s24  }
0xb0: {  	[dreg:$0x4] =	wrdreg $0x9  }
0xb1: {  	_ =	task.clear_ibuf [dreg:s7], $0x5FFFF;
	_ =	strace $0x90000046  }
0xb2: {  	s29 =	simm.s32 $0x9;
	_ =	strace $0x80000048  }
0xb3: {  	_ =	swait.ge [sflag:s29], $0x1  }
0xb4: {  	[sflag:s29] =	ssyncadd.s32 $0xFFFFFFFF  }
0xb5: {  	_ =	strace $0x90000048  }
0xb6: {  	_ =	sfence  }
0xb7: {  	s30 =	sld [smem:$0x0];
	_ =	sdelay $0x2  }
0xb8: {  	s31 =	sshll.u32 s1, $0xD;
	s1 =	sshrl.u32 s1, $0x2  }
0xb9: {  	s3 =	sand.u32 $0x4000, s31;
	s1 =	sadd.s32 s1, s30  }
0xba: {  	s0 =	sor.u32 s3, s0;
	s1 =	sshll.u32 s1, $0x11  }
0xbb: {  	s0 =	sor.u32 s1, s0  }
0xbc: {  	s0 =	sadd.s32 $0x8F2B, s0  }
0xbd: {  	[sflag:s0] =	ssyncadd.remote.s32 $0x1  }
0xbe: {  	_ =	sfence.sel $0xFFFF  }
0xbf: {  	[dreg:$0x0] =	wrdreg $0xFFFFFFFF;
	(pc) =	sbr.abs _section_cstart, $3  }
0xc0: {  	[dreg:$0x1] =	wrdreg $0xFFFFFFFF  }
0xc1: {  	_ =	task.clear_ibuf [dreg:s7], $0x2FFFF;
	_ =	strace $0x9FFFFFFF  }
0xc2: {  	(tm) =	ssettm $0x7FFFFFFF  }
0xc3: {  	_ =	shalt  }
tec
execute0_lowered:
.L_overlay_start_1:
0x0: {  	(tag) =	ssettag $0x1  }
0x1: {  	s2 =	rddreg [dreg:$0x0];
	s0 =	stileid.u32  }
0x2: {  	s1 =	srdreg.scid;
	s8 =	rddreg [dreg:$0x1]  }
0x3: {  	s5 =	simm.s32 $0x1;
	s9 =	simm.s32 $0x1;
	s10 =	simm.s32 $0x3  }
0x4: {  	s13 =	simm.s32 $0x0;
	s3 =	sand.u32 $0x1, s1;
	s4 =	sshll.u32 s0, $0x1  }
0x5: {  	s12 =	simm.s32 $0x0;
	s1 =	rddreg [dreg:$0x2];
	s6 =	sor.u32 s4, s3  }
0x6: {  	_ =	strace $0x80000047;
	s3 =	sadd.s32 $0x3400, s8;
	s4 =	smul.u32 $0xA00, s6  }
0x7: {  	[sflag:s5] =	ssyncpa.u1 $0x0;
	p0 =	slt.u32 s6, $0x9;
	s6 =	simm.s32 $0x14000  }
.Ltmp0:
0x8: {  	s6 =	simm.s32 @!p0 $0x0;
	s7 =	ssub.s32 $0x19000, s4;
	(pc) =	sbr.rel .LBB2_1-.Ltmp0, $4  }
0x9: {  	s9 =	simm.s32 @!p0 $0x0;
	p0 =	sne.s32 s7, s6;
	s7 =	simm.s32 $0x1  }
0xa: {  	s8 =	sadd.s32 $0x6E00, s8;
	s6 =	simm.s32 $0x2;
	s7 =	simm.s32 @!p0 $0x0  }
0xb: {  	s11 =	smov.u32 s4;
	[sflag:s6] =	ssyncpa.u1 $0x0;
	s7 =	sadd.s32 s9, s7  }
0xc: {  	vm0 =	vmmov $0xffff;
	[sflag:s10] =	ssyncpa.u1 $0x0;
	s10 =	simm.s32 $0x0;
	s9 =	sadd.s32 $0x1, s7  }
.LBB2_4:
0xd: {  	v2 =	vnsel vm1, $0x0, v2  }
0xe: {  	vm1 =	vgt.s32 v0, $0x0;
	v2 =	vmin.u32 v2, $0x18FFF  }
0xf: {  	v0 =	vnsel vm1, $0x0, v0  }
0x10: {  	v0 =	vmin.u32 v0, $0x18FFF  }
0x11: {  	[tilespmem:s18], [sflag:$0x1] =	stream.indirect_vreg.gather [hbm4b:s2+s10], $0x1, v1, vm0, $0x4038;
	[tilespmem:$0x2800] =	vst v63  }
0x12: {  	(ifvalue) =	ssetifvalue $0x7FFFFFFF  }
0x13: {  	[tilespmem:s15], [sflag:$0x1] =	stream.indirect_vreg.gather [hbm4b:s2+s10], $0x1, v2, vm0, $0x4038;
	[tilespmem:$0x2800] =	vst v63  }
0x14: {  	s29 =	sadd.s32 $0x10, s15;
	(ifvalue) =	ssetifvalue $0x7FFFFFFF  }
0x15: {  	[tilespmem:s29], [sflag:$0x1] =	stream.indirect_vreg.gather [hbm4b:s2+s10], $0x1, v0, vm0, $0x4038;
	[tilespmem:$0x2800] =	vst v63  }
0x16: {  	_ =	swait.ge [sflag:s5], $0xA00  }
0x17: {  	s30 =	sshrl.u32 s13, $0x3;
	[sflag:s5] =	ssyncset.done $0x0  }
0x18: {  	s31 =	sand.u32 $0x7, s13;
	s15 =	sadd.s32 s8, s30;
	[sflag:s5] =	ssyncadd.s32 $0xFFFFF600  }
0x19: {  	[hbm4b:s15+s31] =	stream.linear.scatter [tilespmem:s14], [sflag:$0x3], $0xA00, $0x38;
	[tilespmem:$0x2800] =	vst v63  }
.LBB2_5:
0x1a: {  	s15 =	sadd.s32 $0x14000, s11  }
0x1b: {  	p1 =	sgt.s32 s15, $0x18FFF  }
0x1c: {  	s15 =	smov.u32 @p1 s4;
	p1 =	sne.s32 s12, s9  }
.Ltmp1:
0x1d: {  	p0 =	slt.u32 s12, $0x2;
	(pc) =	sbr.rel @!p1 .LBB2_6-.Ltmp1, $4  }
0x1e: {  	s14 =	simm.s32 @!p0 $0x3  }
0x1f: {  	_ =	swait.ge @!p0 [sflag:s14], $0xA00  }
0x20: {  	s16 =	sadd.s32 $0x1, s12;
	s13 =	smov.u32 s11;
	[sflag:s14] =	ssyncset.done @!p0 $0x0  }
0x21: {  	s12 =	smov.u32 s16;
	s11 =	smov.u32 s15;
	[sflag:s14] =	ssyncadd.s32 @!p0 $0xFFFFF600  }
.LBB2_1:
0x22: {  	p0 =	sge.u32 s12, s7  }
0x23: {  	s14 =	sxor.u32 @!p0 $0x1, s12  }
0x24: {  	s14 =	smul.u32 @!p0 $0x2800, s14  }
0x25: {  	s31 =	sadd.s32 $0xFFFFFFFF, s12;
	s15 =	sshrl.u32 @!p0 s11, $0x3  }
0x26: {  	s16 =	sand.u32 @!p0 $0x7, s11;
	s15 =	sadd.s32 @!p0 s3, s15;
	s14 =	sshra.s32 @!p0 s14, $0x2  }
0x27: {  	[tilespmem:s14], [sflag:$0x2] =	stream.linear.gather @!p0 [hbm4b:s15+s16], $0xA00, $0x38;
	[tilespmem:$0x2800] =	vst v63  }
0x28: {  	p0 =	sge.u32 s31, s7  }
.Ltmp2:
0x29: {  	_ = 	snop;
	(pc) =	sbr.rel @p0 .LBB2_5-.Ltmp2, $1  }
0x2a: {  	_ =	sdelay $0x3  }
0x2b: {  	s14 =	sand.u32 $0x1, s12  }
0x2c: {  	_ =	swait.ge [sflag:s6], $0xA00;
	p0 =	seq.s32 s14, $0x1;
	s14 =	simm.s32 $0xA00  }
0x2d: {  	[sflag:s6] =	ssyncset.done $0x0;
	s14 =	simm.s32 @!p0 $0x0  }
0x2e: {  	[sflag:s6] =	ssyncadd.s32 $0xFFFFF600;
	(ifvalue) =	ssetifvalue $0x7FFFFFFF;
	v0 =	vld.msk [tilespmem:s14+$0x0 ss:$0x1], $0xffff;
	_ =	sdelay $0x4  }
0x2f: {  	s15 =	sadd.s32 $0x10, s14;
	vm1 =	vgt.s32 v0, $0x0  }
0x30: {  	v2 =	vld.msk [tilespmem:s15+$0x0 ss:$0x1], $0xffff;
	v1 =	vnsel vm1, $0x0, v0  }
0x31: {  	v1 =	vmin.u32 v1, $0x18FFF;
	_ =	sdelay $0x2  }
0x32: {  	s17 =	simm.s32 $0x20;
	s14 =	sor.u32 $0x1400, s14;
	s16 =	sadd.s32 $0x10, s15  }
0x33: {  	s15 =	sadd.s32 $0x10, s14;
	s18 =	smov.u32 s14;
	v0 =	vld.msk [tilespmem:s16+$0x0 ss:$0x1], $0xffff;
	vm1 =	vgt.s32 v2, $0x0;
	(ifvalue) =	ssetifvalue $0x7FFFFFFF  }
.LBB2_3:
0x34: {  	[tilespmem:s18], [sflag:$0x1] =	stream.indirect_vreg.gather [hbm4b:s2+s10], $0x1, v1, vm0, $0x4038;
	[tilespmem:$0x2800] =	vst v63  }
0x35: {  	s17 =	sadd.s32 $0x10, s17  }
0x36: {  	v2 =	vnsel vm1, $0x0, v2;
	p0 =	slt.u32 s17, $0x9F0  }
.Ltmp3:
0x37: {  	s18 =	smov.u32 s15;
	v1 =	vmin.u32 v2, $0x18FFF;
	(pc) =	sbr.rel @p0 .LBB2_3-.Ltmp3, $3  }
0x38: {  	_ =	sdelay $0x1  }
0x39: {  	s16 =	sadd.s32 $0x10, s16  }
0x3a: {  	vm1 =	vgt.s32 v0, $0x0;
	s15 =	sadd.s32 $0x10, s15;
	v2 =	vmov v0;
	(ifvalue) =	ssetifvalue $0x7FFFFFFF;
	v0 =	vld.msk [tilespmem:s16+$0x0 ss:$0x1], $0xffff  }
.Ltmp4:
0x3b: {  	_ = 	snop;
	(pc) =	sbr.rel .LBB2_4-.Ltmp4, $1  }
0x3c: {  	_ =	sdelay $0x3  }
.LBB2_6:
0x3d: {  	_ =	sfence.sel $0x180000  }
0x3e: {  	s2 =	simm.s32 $0x2;
	[bflag:$0x0] =	sbarrier.arrive $0xFFFF  }
0x3f: {  	s30 =	simm.s32 $0x3;
	[sflag:s2] =	ssyncpa.u1 $0x1  }
0x40: {  	s31 =	simm.s32 $0x1;
	[sflag:s30] =	ssyncpa.u1 $0x1  }
0x41: {  	[sflag:s31] =	ssyncpa.u1 $0x1  }
0x42: {  	p0 =	sne.s32 s0, $0x0;
	_ =	strace $0x90000047  }
0x43: {  	s0 =	sadd.s32 @!p0 $0x100000, s1;
	[bflag:$0x2] =	sbarrier.arrive $0xFFFF  }
0x44: {  	[sflag:s0] =	ssyncadd.tile.s32 @!p0 $0x1;
	_ =	shalt  }
.Lfunc_end2:
_tile_overlayer_lowered:
.L_overlay_start_2:
0x45: {  	(tag) =	ssettag $0x2  }
0x46: {  	s0 =	rddreg [dreg:$0x0];
	s2 =	stileid.u32  }
0x47: {  	s1 =	rddreg [dreg:$0x1];
	p0 =	sne.s32 s2, $0x0  }
0x48: {  	s3 =	rddreg [dreg:$0x2];
	[bflag:$0x3] =	sbarrier.arrive $0xFFFF;
	s2 =	simm.s32 @!p0 $0x1C01  }
0x49: {  	[timem:s3], [sflag:s2] =	dma.local @!p0 [hbm:s0], s1  }
0x4a: {  	s0 =	simm.s32 @!p0 $0x1  }
0x4b: {  	_ =	swait.ge @!p0 [sflag:s0], s1  }
0x4c: {  	s1 =	ssub.s32 @!p0 $0x0, s1;
	[sflag:s0] =	ssyncset.done @!p0 $0x0  }
0x4d: {  	[sflag:s0] =	ssyncadd.s32 @!p0 s1  }
0x4e: {  	[bflag:$0x3] =	sbarrier.arrive $0xFFFF  }
0x4f: {  	_ =	shalt  }

// kernel: kernel.10.cloned.1.call-start
scs
__scs_entry_jumppad:
0x0: {  	(pc) =	sbr.rel $0x88, $3  }
0x1: {  	(tag) =	ssettag $0x0;
	lr =	simm.s32 $0x1  }
0x2: {  	[smem:$0x3F98] =	sst lr;
	_ =	strace $0xD0000000  }
0x3: {  	_ = 	snop  }
0x4: {  	_ = 	snop  }
0x5: {  	_ = 	snop  }
0x6: {  	_ = 	snop  }
0x7: {  	_ = 	snop  }
__scs_overlays_trampoline_lowered:
0x8: {  	[smem:$0x3FA7] =	sst s0  }
0x9: {  	[smem:$0x3FA8] =	sst s1  }
0xa: {  	[smem:$0x3FA9] =	sst s2  }
0xb: {  	[smem:$0x3FAA] =	sst s3  }
0xc: {  	[smem:$0x3FAB] =	sst s4  }
0xd: {  	[smem:$0x3FAC] =	sst s5  }
0xe: {  	[smem:$0x3FAD] =	sst s6  }
0xf: {  	[smem:$0x3FAE] =	sst s7  }
0x10: {  	[smem:$0x3FAF] =	sst s8  }
0x11: {  	[smem:$0x3FB0] =	sst s9;
	s0 =	simm.s32 @!p0 $0x0  }
0x12: {  	s1 =	sld [smem:$0x3F96];
	s0 =	simm.s32 @p0 $0x1  }
0x13: {  	[smem:$0x3FB1] =	sst s0;
	s0 =	simm.s32 @!p1 $0x0  }
0x14: {  	s2 =	sld [smem:$0x3F95];
	s0 =	simm.s32 @p1 $0x1  }
0x15: {  	[smem:$0x3FB2] =	sst s0;
	s0 =	simm.s32 @!p2 $0x0  }
0x16: {  	s3 =	sld [smem:$0x3FDB];
	s0 =	simm.s32 @p2 $0x1  }
0x17: {  	s4 =	simm.s32 $0x1BF5;
	[smem:$0x3FB4] =	sst s0  }
0x18: {  	s0 =	sld [smem:$0x3F97];
	_ =	swait.ge [sflag:s4], $0x0  }
0x19: {  	s7 =	sld [smem:$0x3F98]  }
0x1a: {  	s8 =	sadd.s32 $0xFFFFE003, lr  }
0x1b: {  	s9 =	sadd.s32 $0xFFFFFEF7, lr;
	s5 =	simm.s32 $0xFFFFFFFF;
	p2 =	slt.u32 s8, $0xFFFFF086  }
0x1c: {  	p1 =	slt.u32 s9, $0xF7A;
	s5 =	simm.s32 @!p2 $0x0  }
0x1d: {  	s5 =	simm.s32 @p1 $0x1;
	p0 =	seq.s32 s7, s2  }
0x1e: {  	s7 =	smul.u32 @!p0 $0xF7A, s2;
	p2 =	seq.s32 @!p0 s5, $0x0  }
0x1f: {  	s9 =	smul.u32 $0xF7A, s1;
	s8 =	simm.s32 @!p0 $0x1BF5;
	p2 =	por !p2, p0  }
0x20: {  	[sflag:s8] =	ssyncset.s32 @!p0 $0xFFFFF086;
	s6 =	sadd.s32 @!p0 s3, s7;
	s7 =	simm.s32 @!p0 $0x108  }
0x21: {  	s3 =	sadd.s32 s3, s9;
	s6 =	sadd.s32 @!p0 $0x88, s6;
	s7 =	simm.s32 @p2 $0x1082  }
0x22: {  	[simem:s7], [sflag:s8] =	dma.local @!p0 [hbm:s6], $0xF7A  }
0x23: {  	s9 =	sor.u32 $0xD0000000, s2;
	s6 =	simm.s32 $0x108;
	_ =	swait.ge @!p0 [sflag:s8], $0x0  }
0x24: {  	s3 =	sadd.s32 $0x88, s3;
	s6 =	simm.s32 @!p1 $0x1082;
	[sflag:s4] =	ssyncset.s32 $0xFFFFF086  }
0x25: {  	[simem:s6], [sflag:s4] =	dma.local [hbm:s3], $0xF7A  }
0x26: {  	[smem:$0x3F98] =	sst s1;
	(tag) =	ssettag s2;
	_ =	strace s9  }
0x27: {  	s1 =	sld [smem:$0x3FA8]  }
0x28: {  	s2 =	sld [smem:$0x3FA9]  }
0x29: {  	s4 =	sld [smem:$0x3FAB]  }
0x2a: {  	p0 =	seq.s32 s5, $0x0;
	s5 =	sld [smem:$0x3FAC]  }
0x2b: {  	s6 =	sld [smem:$0x3FAD]  }
0x2c: {  	s7 =	sld [smem:$0x3FAE]  }
0x2d: {  	s3 =	simm.s32 $0x108;
	s8 =	sld [smem:$0x3FAF]  }
0x2e: {  	s3 =	simm.s32 @!p0 $0x1082;
	s9 =	sld [smem:$0x3FB0]  }
0x2f: {  	lr =	sadd.s32 s0, s3;
	s0 =	sld [smem:$0x3FA7]  }
0x30: {  	s3 =	sld [smem:$0x3FAA]  }
0x31: {  	[smem:$0x3FB3] =	sst s10  }
0x32: {  	s10 =	sld [smem:$0x3FB1];
	_ =	sdelay $0x3  }
0x33: {  	p0 =	seq.s32 s10, $0x1;
	s10 =	sld [smem:$0x3FB3];
	_ =	sdelay $0x3  }
0x34: {  	[smem:$0x3FB3] =	sst s10  }
0x35: {  	s10 =	sld [smem:$0x3FB2];
	_ =	sdelay $0x3  }
0x36: {  	p1 =	seq.s32 s10, $0x1;
	s10 =	sld [smem:$0x3FB3];
	_ =	sdelay $0x3  }
0x37: {  	[smem:$0x3FB3] =	sst s10  }
0x38: {  	s10 =	sld [smem:$0x3FB4]  }
0x39: {  	_ = 	snop;
	(pc) =	sbr.ind lr, $3  }
0x3a: {  	_ = 	snop  }
0x3b: {  	_ = 	snop  }
0x3c: {  	p2 =	seq.s32 s10, $0x1;
	s10 =	sld [smem:$0x3FB3]  }
0x3d: {  	_ =	shalt  }
0x3e: {  	_ =	shalt  }
0x3f: {  	_ =	shalt  }
0x40: {  	_ =	shalt  }
0x41: {  	_ =	shalt  }
0x42: {  	_ =	shalt  }
0x43: {  	_ =	shalt  }
0x44: {  	_ =	shalt  }
0x45: {  	_ =	shalt  }
0x46: {  	_ =	shalt  }
0x47: {  	_ =	shalt  }
0x48: {  	_ =	shalt  }
0x49: {  	_ =	shalt  }
0x4a: {  	_ =	shalt  }
0x4b: {  	_ =	shalt  }
0x4c: {  	_ =	shalt  }
0x4d: {  	_ =	shalt  }
0x4e: {  	_ =	shalt  }
0x4f: {  	_ =	shalt  }
0x50: {  	_ =	shalt  }
0x51: {  	_ =	shalt  }
0x52: {  	_ =	shalt  }
0x53: {  	_ =	shalt  }
0x54: {  	_ =	shalt  }
0x55: {  	_ =	shalt  }
0x56: {  	_ =	shalt  }
0x57: {  	_ =	shalt  }
0x58: {  	_ =	shalt  }
0x59: {  	_ =	shalt  }
0x5a: {  	_ =	shalt  }
0x5b: {  	_ =	shalt  }
0x5c: {  	_ =	shalt  }
0x5d: {  	_ =	shalt  }
0x5e: {  	_ =	shalt  }
0x5f: {  	_ =	shalt  }
0x60: {  	_ =	shalt  }
0x61: {  	_ =	shalt  }
0x62: {  	_ =	shalt  }
0x63: {  	_ =	shalt  }
0x64: {  	_ =	shalt  }
0x65: {  	_ =	shalt  }
0x66: {  	_ =	shalt  }
0x67: {  	_ =	shalt  }
0x68: {  	_ =	shalt  }
0x69: {  	_ =	shalt  }
0x6a: {  	_ =	shalt  }
0x6b: {  	_ =	shalt  }
0x6c: {  	_ =	shalt  }
0x6d: {  	_ =	shalt  }
0x6e: {  	_ =	shalt  }
0x6f: {  	_ =	shalt  }
0x70: {  	_ =	shalt  }
0x71: {  	_ =	shalt  }
0x72: {  	_ =	shalt  }
0x73: {  	_ =	shalt  }
0x74: {  	_ =	shalt  }
0x75: {  	_ =	shalt  }
0x76: {  	_ =	shalt  }
0x77: {  	_ =	shalt  }
0x78: {  	_ =	shalt  }
0x79: {  	_ =	shalt  }
0x7a: {  	_ =	shalt  }
0x7b: {  	_ =	shalt  }
0x7c: {  	_ =	shalt  }
0x7d: {  	_ =	shalt  }
0x7e: {  	_ =	shalt  }
0x7f: {  	_ =	shalt  }
0x80: {  	_ =	shalt  }
0x81: {  	_ =	shalt  }
0x82: {  	_ =	shalt  }
0x83: {  	_ =	shalt  }
0x84: {  	_ =	shalt  }
0x85: {  	_ =	shalt  }
0x86: {  	_ =	shalt  }
0x87: {  	_ =	shalt  }
.Lfunc_end0:
.L_simem_size_0:
called_computation.1_lowered:
.L_overlay_start_0:
0x88: {  	s2 =	sld [smem:$0x3FD9]  }
0x89: {  	s3 =	sld [smem:$0x3FFE];
	_ =	sdelay $0x1  }
0x8a: {  	s1 =	srdreg.scid  }
0x8b: {  	s0 =	sand.u32 $0x1, s1  }
0x8c: {  	s17 =	sshll.u32 s0, $0xA;
	s2 =	sadd.s32 s3, s2  }
0x8d: {  	s2 =	sadd.s32 s2, s17  }
0x8e: {  	[smem:$0x3FBF] =	sst s2  }
0x8f: {  	_ = 	snop  }
0x90: {  	s2 =	sld [smem:$0x3FD0];
	(tm) =	ssettm $0x1  }
0x91: {  	s18 =	sld [smem:$0x3FFB];
	_ =	sdelay $0x3  }
0x92: {  	_ =	strace s18  }
0x93: {  	s3 =	sld [smem:$0x3FFC];
	_ =	sdelay $0x3  }
0x94: {  	_ =	strace s3  }
0x95: {  	s3 =	sld [smem:$0x3FFD];
	_ =	sdelay $0x3  }
0x96: {  	_ =	strace s3  }
0x97: {  	_ =	strace $0x8FFFFFFF  }
0x98: {  	s19 =	sld [smem:$0x3FDB];
	_ =	sdelay $0x1  }
0x99: {  	s4 =	simm.s32 $_scs_section_size  }
0x9a: {  	s5 =	simm.s32 $_size__tile_overlayer_lowered;
	s6 =	simm.s32 $_tile_overlayer_lowered  }
0x9b: {  	s22 =	simm.s32 $0x1BFF;
	s21 =	sshll.u32 s6, $0x1;
	s3 =	sadd.s32 s4, s19  }
0x9c: {  	s7 =	simm.s32 $0x0;
	s20 =	sshll.u32 s5, $0x1;
	s5 =	sadd.s32 s21, s3  }
0x9d: {  	[timem:s7], [sflag:s22] =	dma.local [hbm:s5], s20  }
0x9e: {  	_ =	swait.ge [sflag:s22], s20  }
0x9f: {  	s4 =	ssub.s32 $0x0, s20;
	[sflag:s22] =	ssyncset.done $0x0  }
0xa0: {  	[sflag:s22] =	ssyncadd.s32 s4;
	_ =	sdelay $0x1  }
0xa1: {  	s23 =	simm.s32 $0x1B8B  }
0xa2: {  	_ =	swait.ge [sflag:s23], $0x1  }
0xa3: {  	[sflag:s23] =	ssyncset.done $0x0  }
0xa4: {  	s25 =	simm.s32 $0x1B8E;
	s24 =	sld [smem:$0x3FFE];
	[sflag:s23] =	ssyncadd.s32 $0xFFFFFFFF  }
0xa5: {  	s26 =	simm.s32 $execute0_lowered;
	[smem:$0x3FD2] =	sst s25  }
0xa6: {  	s5 =	sshll.u32 s26, $0x1;
	_ =	strace $0x80000049;
	[dreg:$0x1] =	wrdreg $0xFFFFFFFF  }
0xa7: {  	s28 =	simm.s32 $_size_execute0_lowered;
	s3 =	sadd.s32 s3, s5;
	[dreg:$0x0] =	wrdreg $0x0  }
0xa8: {  	s5 =	sshll.u32 s28, $0x1;
	[dreg:$0x2] =	wrdreg s3  }
0xa9: {  	[dreg:$0x3] =	wrdreg s5  }
0xaa: {  	[dreg:$0x4] =	wrdreg $0xC0  }
0xab: {  	_ =	task [dreg:s7], $0x5FFFF  }
0xac: {  	[dreg:$0x1] =	wrdreg $0xFFFFFFFF  }
0xad: {  	[dreg:$0x0] =	wrdreg $0x60  }
0xae: {  	[dreg:$0x2] =	wrdreg s24  }
0xaf: {  	[dreg:$0x3] =	wrdreg s2  }
0xb0: {  	[dreg:$0x4] =	wrdreg $0x9  }
0xb1: {  	_ =	task.clear_ibuf [dreg:s7], $0x5FFFF;
	_ =	strace $0x90000049  }
0xb2: {  	s29 =	simm.s32 $0x9;
	_ =	strace $0x8000004B  }
0xb3: {  	_ =	swait.ge [sflag:s29], $0x1  }
0xb4: {  	[sflag:s29] =	ssyncadd.s32 $0xFFFFFFFF  }
0xb5: {  	_ =	strace $0x9000004B  }
0xb6: {  	_ =	sfence  }
0xb7: {  	s30 =	sld [smem:$0x0];
	_ =	sdelay $0x2  }
0xb8: {  	s31 =	sshll.u32 s1, $0xD;
	s1 =	sshrl.u32 s1, $0x2  }
0xb9: {  	s3 =	sand.u32 $0x4000, s31;
	s1 =	sadd.s32 s1, s30  }
0xba: {  	s0 =	sor.u32 s3, s0;
	s1 =	sshll.u32 s1, $0x11  }
0xbb: {  	s0 =	sor.u32 s1, s0  }
0xbc: {  	s0 =	sadd.s32 $0x8F2B, s0  }
0xbd: {  	[sflag:s0] =	ssyncadd.remote.s32 $0x1  }
0xbe: {  	_ =	sfence.sel $0xFFFF  }
0xbf: {  	[dreg:$0x0] =	wrdreg $0xFFFFFFFF;
	(pc) =	sbr.abs _section_cstart, $3  }
0xc0: {  	[dreg:$0x1] =	wrdreg $0xFFFFFFFF  }
0xc1: {  	_ =	task.clear_ibuf [dreg:s7], $0x2FFFF;
	_ =	strace $0x9FFFFFFF  }
0xc2: {  	(tm) =	ssettm $0x7FFFFFFF  }
0xc3: {  	_ =	shalt  }
tec
execute0_lowered:
.L_overlay_start_1:
0x0: {  	(tag) =	ssettag $0x1  }
0x1: {  	s1 =	srdreg.scid;
	s0 =	stileid.u32  }
0x2: {  	s13 =	sand.u32 $0x1, s1;
	s30 =	sshll.u32 s0, $0x1  }
0x3: {  	s5 =	rddreg [dreg:$0x0];
	s18 =	sor.u32 s13, s30  }
0x4: {  	s19 =	rddreg [dreg:$0x1];
	s3 =	smul.u32 $0x60, s18  }
0x5: {  	s2 =	simm.s32 $0x0;
	s1 =	rddreg [dreg:$0x2]  }
0x6: {  	[smem:$0x7FF] =	sst s2;
	s3 =	sadd.s32 s3, s5  }
0x7: {  	_ =	strace $0x8000004A;
	s4 =	sadd.s32 $0x3400, s3;
	s3 =	simm.s32 $0x2  }
0x8: {  	[tilespmem:s2], [sflag:$0x2] =	stream.linear.gather [hbm4b:s4+s2], $0x300, $0x38;
	[tilespmem:$0x6300] =	vst v63  }
0x9: {  	_ =	swait.ge [sflag:s3], $0x300  }
0xa: {  	s6 =	simm.s32 $0x80;
	[sflag:s3] =	ssyncset.done $0x0  }
0xb: {  	s7 =	simm.s32 $0x300;
	s5 =	sadd.s32 $0x6600, s5;
	[sflag:s3] =	ssyncadd.s32 $0xFFFFFD00  }
0xc: {  	[tilespmem:s7], [sflag:$0x1] =	stream.indirect.gather [hbm4b:s5+s6], $0x20, s2, s6, $0xb8;
	[tilespmem:$0x6300] =	vst v63  }
0xd: {  	s8 =	simm.s32 $0x1300;
	s9 =	simm.s32 $0x100  }
0xe: {  	[tilespmem:s8], [sflag:$0x1] =	stream.indirect.gather [hbm4b:s5+s6], $0x20, s6, s6, $0xb8;
	[tilespmem:$0x6300] =	vst v63  }
0xf: {  	s10 =	simm.s32 $0x2300;
	s11 =	simm.s32 $0x180;
	s20 =	ssub.s32 $0x2, s13  }
0x10: {  	[tilespmem:s10], [sflag:$0x1] =	stream.indirect.gather [hbm4b:s5+s6], $0x20, s9, s6, $0xb8;
	[tilespmem:$0x6300] =	vst v63  }
0x11: {  	s12 =	simm.s32 $0x3300;
	s14 =	simm.s32 $0x4300;
	s21 =	sshrl.u32 s20, $0x1  }
0x12: {  	[tilespmem:s12], [sflag:$0x1] =	stream.indirect.gather [hbm4b:s5+s6], $0x20, s11, s6, $0xb8;
	[tilespmem:$0x6300] =	vst v63  }
0x13: {  	s15 =	simm.s32 $0x280;
	s13 =	simm.s32 $0x200;
	s20 =	ssub.s32 s20, s21  }
0x14: {  	[tilespmem:s14], [sflag:$0x1] =	stream.indirect.gather [hbm4b:s5+s6], $0x20, s13, s6, $0xb8;
	[tilespmem:$0x6300] =	vst v63  }
0x15: {  	s16 =	simm.s32 $0x5300;
	s17 =	simm.s32 $0x1;
	s31 =	smax.u32 s20, $0x1  }
0x16: {  	[tilespmem:s16], [sflag:$0x1] =	stream.indirect.gather [hbm4b:s5+s6], $0x20, s15, s6, $0xb8;
	[tilespmem:$0x6300] =	vst v63  }
0x17: {  	s18 =	smul.u32 $0xC00, s18;
	p0 =	sne.s32 s31, $0x1;
	_ =	swait.ge [sflag:s17], $0x6000  }
.Ltmp0:
0x18: {  	[sflag:s17] =	ssyncset.done $0x0;
	(pc) =	sbr.rel @!p0 .LBB2_2-.Ltmp0, $4  }
0x19: {  	s18 =	sadd.s32 s19, s18;
	[sflag:s17] =	ssyncadd.s32 $0xFFFFA000  }
0x1a: {  	[hbm4b:s18+s2] =	stream.linear.scatter [tilespmem:s7], [sflag:$0x2], $0x6000, $0x38;
	[tilespmem:$0x6300] =	vst v63  }
0x1b: {  	_ =	swait.ge [sflag:s3], $0x6000  }
0x1c: {  	s19 =	sadd.s32 $0xFFFFFFFF, s31;
	[sflag:s3] =	ssyncset.done $0x0  }
.LBB2_1:
0x1d: {  	p0 =	sne.s32 s19, $0x1;
	s19 =	sadd.s32 $0xFFFFFFFF, s19;
	[sflag:s3] =	ssyncadd.s32 $0xFFFFA000  }
0x1e: {  	[tilespmem:s2], [sflag:$0x2] =	stream.linear.gather [hbm4b:s4+s2], $0x300, $0x38;
	[tilespmem:$0x6300] =	vst v63  }
0x1f: {  	_ =	swait.ge [sflag:s3], $0x300  }
0x20: {  	[sflag:s3] =	ssyncset.done $0x0  }
0x21: {  	[sflag:s3] =	ssyncadd.s32 $0xFFFFFD00  }
0x22: {  	[tilespmem:s7], [sflag:$0x1] =	stream.indirect.gather [hbm4b:s5+s6], $0x20, s2, s6, $0xb8;
	[tilespmem:$0x6300] =	vst v63  }
0x23: {  	_ = 	snop  }
0x24: {  	[tilespmem:s8], [sflag:$0x1] =	stream.indirect.gather [hbm4b:s5+s6], $0x20, s6, s6, $0xb8;
	[tilespmem:$0x6300] =	vst v63  }
0x25: {  	_ = 	snop  }
0x26: {  	[tilespmem:s10], [sflag:$0x1] =	stream.indirect.gather [hbm4b:s5+s6], $0x20, s9, s6, $0xb8;
	[tilespmem:$0x6300] =	vst v63  }
0x27: {  	_ = 	snop  }
0x28: {  	[tilespmem:s12], [sflag:$0x1] =	stream.indirect.gather [hbm4b:s5+s6], $0x20, s11, s6, $0xb8;
	[tilespmem:$0x6300] =	vst v63  }
0x29: {  	_ = 	snop  }
0x2a: {  	[tilespmem:s14], [sflag:$0x1] =	stream.indirect.gather [hbm4b:s5+s6], $0x20, s13, s6, $0xb8;
	[tilespmem:$0x6300] =	vst v63  }
0x2b: {  	_ = 	snop  }
0x2c: {  	[tilespmem:s16], [sflag:$0x1] =	stream.indirect.gather [hbm4b:s5+s6], $0x20, s15, s6, $0xb8;
	[tilespmem:$0x6300] =	vst v63  }
0x2d: {  	_ =	swait.ge [sflag:s17], $0x6000  }
.Ltmp1:
0x2e: {  	[sflag:s17] =	ssyncset.done $0x0;
	(pc) =	sbr.rel @p0 .LBB2_1-.Ltmp1, $4  }
0x2f: {  	[sflag:s17] =	ssyncadd.s32 $0xFFFFA000  }
0x30: {  	[hbm4b:s18+s2] =	stream.linear.scatter [tilespmem:s7], [sflag:$0x2], $0x6000, $0x38;
	[tilespmem:$0x6300] =	vst v63  }
0x31: {  	_ =	swait.ge [sflag:s3], $0x6000  }
0x32: {  	[sflag:s3] =	ssyncset.done $0x0  }
.LBB2_2:
0x33: {  	[sflag:s3] =	ssyncadd.s32 $0xFFFFA000  }
0x34: {  	_ =	sfence.sel $0x180000  }
0x35: {  	[bflag:$0x0] =	sbarrier.arrive $0xFFFF  }
0x36: {  	p0 =	sne.s32 s0, $0x0;
	_ =	strace $0x9000004A  }
0x37: {  	s0 =	sadd.s32 @!p0 $0x100000, s1;
	[bflag:$0x2] =	sbarrier.arrive $0xFFFF  }
0x38: {  	[sflag:s0] =	ssyncadd.tile.s32 @!p0 $0x1;
	_ =	shalt  }
.Lfunc_end2:
_tile_overlayer_lowered:
.L_overlay_start_2:
0x39: {  	(tag) =	ssettag $0x2  }
0x3a: {  	s0 =	rddreg [dreg:$0x0];
	s2 =	stileid.u32  }
0x3b: {  	s1 =	rddreg [dreg:$0x1];
	p0 =	sne.s32 s2, $0x0  }
0x3c: {  	s3 =	rddreg [dreg:$0x2];
	[bflag:$0x3] =	sbarrier.arrive $0xFFFF;
	s2 =	simm.s32 @!p0 $0x1C02  }
0x3d: {  	[timem:s3], [sflag:s2] =	dma.local @!p0 [hbm:s0], s1  }
0x3e: {  	s0 =	simm.s32 @!p0 $0x2  }
0x3f: {  	_ =	swait.ge @!p0 [sflag:s0], s1  }
0x40: {  	s1 =	ssub.s32 @!p0 $0x0, s1;
	[sflag:s0] =	ssyncset.done @!p0 $0x0  }
0x41: {  	[sflag:s0] =	ssyncadd.s32 @!p0 s1  }
0x42: {  	[bflag:$0x3] =	sbarrier.arrive $0xFFFF  }
0x43: {  	_ =	shalt  }

// kernel: kernel.13.cloned.1.call-start
scs
__scs_entry_jumppad:
0x0: {  	(pc) =	sbr.rel $0x88, $3  }
0x1: {  	(tag) =	ssettag $0x0;
	lr =	simm.s32 $0x1  }
0x2: {  	[smem:$0x3F98] =	sst lr;
	_ =	strace $0xD0000000  }
0x3: {  	_ = 	snop  }
0x4: {  	_ = 	snop  }
0x5: {  	_ = 	snop  }
0x6: {  	_ = 	snop  }
0x7: {  	_ = 	snop  }
__scs_overlays_trampoline_lowered:
0x8: {  	[smem:$0x3FA7] =	sst s0  }
0x9: {  	[smem:$0x3FA8] =	sst s1  }
0xa: {  	[smem:$0x3FA9] =	sst s2  }
0xb: {  	[smem:$0x3FAA] =	sst s3  }
0xc: {  	[smem:$0x3FAB] =	sst s4  }
0xd: {  	[smem:$0x3FAC] =	sst s5  }
0xe: {  	[smem:$0x3FAD] =	sst s6  }
0xf: {  	[smem:$0x3FAE] =	sst s7  }
0x10: {  	[smem:$0x3FAF] =	sst s8  }
0x11: {  	[smem:$0x3FB0] =	sst s9;
	s0 =	simm.s32 @!p0 $0x0  }
0x12: {  	s1 =	sld [smem:$0x3F96];
	s0 =	simm.s32 @p0 $0x1  }
0x13: {  	[smem:$0x3FB1] =	sst s0;
	s0 =	simm.s32 @!p1 $0x0  }
0x14: {  	s2 =	sld [smem:$0x3F95];
	s0 =	simm.s32 @p1 $0x1  }
0x15: {  	[smem:$0x3FB2] =	sst s0;
	s0 =	simm.s32 @!p2 $0x0  }
0x16: {  	s3 =	sld [smem:$0x3FDB];
	s0 =	simm.s32 @p2 $0x1  }
0x17: {  	s4 =	simm.s32 $0x1BF5;
	[smem:$0x3FB4] =	sst s0  }
0x18: {  	s0 =	sld [smem:$0x3F97];
	_ =	swait.ge [sflag:s4], $0x0  }
0x19: {  	s7 =	sld [smem:$0x3F98]  }
0x1a: {  	s8 =	sadd.s32 $0xFFFFE003, lr  }
0x1b: {  	s9 =	sadd.s32 $0xFFFFFEF7, lr;
	s5 =	simm.s32 $0xFFFFFFFF;
	p2 =	slt.u32 s8, $0xFFFFF086  }
0x1c: {  	p1 =	slt.u32 s9, $0xF7A;
	s5 =	simm.s32 @!p2 $0x0  }
0x1d: {  	s5 =	simm.s32 @p1 $0x1;
	p0 =	seq.s32 s7, s2  }
0x1e: {  	s7 =	smul.u32 @!p0 $0xF7A, s2;
	p2 =	seq.s32 @!p0 s5, $0x0  }
0x1f: {  	s9 =	smul.u32 $0xF7A, s1;
	s8 =	simm.s32 @!p0 $0x1BF5;
	p2 =	por !p2, p0  }
0x20: {  	[sflag:s8] =	ssyncset.s32 @!p0 $0xFFFFF086;
	s6 =	sadd.s32 @!p0 s3, s7;
	s7 =	simm.s32 @!p0 $0x108  }
0x21: {  	s3 =	sadd.s32 s3, s9;
	s6 =	sadd.s32 @!p0 $0x88, s6;
	s7 =	simm.s32 @p2 $0x1082  }
0x22: {  	[simem:s7], [sflag:s8] =	dma.local @!p0 [hbm:s6], $0xF7A  }
0x23: {  	s9 =	sor.u32 $0xD0000000, s2;
	s6 =	simm.s32 $0x108;
	_ =	swait.ge @!p0 [sflag:s8], $0x0  }
0x24: {  	s3 =	sadd.s32 $0x88, s3;
	s6 =	simm.s32 @!p1 $0x1082;
	[sflag:s4] =	ssyncset.s32 $0xFFFFF086  }
0x25: {  	[simem:s6], [sflag:s4] =	dma.local [hbm:s3], $0xF7A  }
0x26: {  	[smem:$0x3F98] =	sst s1;
	(tag) =	ssettag s2;
	_ =	strace s9  }
0x27: {  	s1 =	sld [smem:$0x3FA8]  }
0x28: {  	s2 =	sld [smem:$0x3FA9]  }
0x29: {  	s4 =	sld [smem:$0x3FAB]  }
0x2a: {  	p0 =	seq.s32 s5, $0x0;
	s5 =	sld [smem:$0x3FAC]  }
0x2b: {  	s6 =	sld [smem:$0x3FAD]  }
0x2c: {  	s7 =	sld [smem:$0x3FAE]  }
0x2d: {  	s3 =	simm.s32 $0x108;
	s8 =	sld [smem:$0x3FAF]  }
0x2e: {  	s3 =	simm.s32 @!p0 $0x1082;
	s9 =	sld [smem:$0x3FB0]  }
0x2f: {  	lr =	sadd.s32 s0, s3;
	s0 =	sld [smem:$0x3FA7]  }
0x30: {  	s3 =	sld [smem:$0x3FAA]  }
0x31: {  	[smem:$0x3FB3] =	sst s10  }
0x32: {  	s10 =	sld [smem:$0x3FB1];
	_ =	sdelay $0x3  }
0x33: {  	p0 =	seq.s32 s10, $0x1;
	s10 =	sld [smem:$0x3FB3];
	_ =	sdelay $0x3  }
0x34: {  	[smem:$0x3FB3] =	sst s10  }
0x35: {  	s10 =	sld [smem:$0x3FB2];
	_ =	sdelay $0x3  }
0x36: {  	p1 =	seq.s32 s10, $0x1;
	s10 =	sld [smem:$0x3FB3];
	_ =	sdelay $0x3  }
0x37: {  	[smem:$0x3FB3] =	sst s10  }
0x38: {  	s10 =	sld [smem:$0x3FB4]  }
0x39: {  	_ = 	snop;
	(pc) =	sbr.ind lr, $3  }
0x3a: {  	_ = 	snop  }
0x3b: {  	_ = 	snop  }
0x3c: {  	p2 =	seq.s32 s10, $0x1;
	s10 =	sld [smem:$0x3FB3]  }
0x3d: {  	_ =	shalt  }
0x3e: {  	_ =	shalt  }
0x3f: {  	_ =	shalt  }
0x40: {  	_ =	shalt  }
0x41: {  	_ =	shalt  }
0x42: {  	_ =	shalt  }
0x43: {  	_ =	shalt  }
0x44: {  	_ =	shalt  }
0x45: {  	_ =	shalt  }
0x46: {  	_ =	shalt  }
0x47: {  	_ =	shalt  }
0x48: {  	_ =	shalt  }
0x49: {  	_ =	shalt  }
0x4a: {  	_ =	shalt  }
0x4b: {  	_ =	shalt  }
0x4c: {  	_ =	shalt  }
0x4d: {  	_ =	shalt  }
0x4e: {  	_ =	shalt  }
0x4f: {  	_ =	shalt  }
0x50: {  	_ =	shalt  }
0x51: {  	_ =	shalt  }
0x52: {  	_ =	shalt  }
0x53: {  	_ =	shalt  }
0x54: {  	_ =	shalt  }
0x55: {  	_ =	shalt  }
0x56: {  	_ =	shalt  }
0x57: {  	_ =	shalt  }
0x58: {  	_ =	shalt  }
0x59: {  	_ =	shalt  }
0x5a: {  	_ =	shalt  }
0x5b: {  	_ =	shalt  }
0x5c: {  	_ =	shalt  }
0x5d: {  	_ =	shalt  }
0x5e: {  	_ =	shalt  }
0x5f: {  	_ =	shalt  }
0x60: {  	_ =	shalt  }
0x61: {  	_ =	shalt  }
0x62: {  	_ =	shalt  }
0x63: {  	_ =	shalt  }
0x64: {  	_ =	shalt  }
0x65: {  	_ =	shalt  }
0x66: {  	_ =	shalt  }
0x67: {  	_ =	shalt  }
0x68: {  	_ =	shalt  }
0x69: {  	_ =	shalt  }
0x6a: {  	_ =	shalt  }
0x6b: {  	_ =	shalt  }
0x6c: {  	_ =	shalt  }
0x6d: {  	_ =	shalt  }
0x6e: {  	_ =	shalt  }
0x6f: {  	_ =	shalt  }
0x70: {  	_ =	shalt  }
0x71: {  	_ =	shalt  }
0x72: {  	_ =	shalt  }
0x73: {  	_ =	shalt  }
0x74: {  	_ =	shalt  }
0x75: {  	_ =	shalt  }
0x76: {  	_ =	shalt  }
0x77: {  	_ =	shalt  }
0x78: {  	_ =	shalt  }
0x79: {  	_ =	shalt  }
0x7a: {  	_ =	shalt  }
0x7b: {  	_ =	shalt  }
0x7c: {  	_ =	shalt  }
0x7d: {  	_ =	shalt  }
0x7e: {  	_ =	shalt  }
0x7f: {  	_ =	shalt  }
0x80: {  	_ =	shalt  }
0x81: {  	_ =	shalt  }
0x82: {  	_ =	shalt  }
0x83: {  	_ =	shalt  }
0x84: {  	_ =	shalt  }
0x85: {  	_ =	shalt  }
0x86: {  	_ =	shalt  }
0x87: {  	_ =	shalt  }
.Lfunc_end0:
.L_simem_size_0:
called_computation.2_lowered:
.L_overlay_start_0:
0x88: {  	s2 =	sld [smem:$0x3FD9]  }
0x89: {  	s3 =	sld [smem:$0x3FFE];
	_ =	sdelay $0x1  }
0x8a: {  	s1 =	srdreg.scid  }
0x8b: {  	s0 =	sand.u32 $0x1, s1  }
0x8c: {  	s17 =	sshll.u32 s0, $0xA;
	s2 =	sadd.s32 s3, s2  }
0x8d: {  	s2 =	sadd.s32 s2, s17  }
0x8e: {  	[smem:$0x3FBF] =	sst s2  }
0x8f: {  	_ = 	snop  }
0x90: {  	(tm) =	ssettm $0x1  }
0x91: {  	s18 =	sld [smem:$0x3FFB];
	_ =	sdelay $0x3  }
0x92: {  	_ =	strace s18  }
0x93: {  	s2 =	sld [smem:$0x3FFC];
	_ =	sdelay $0x3  }
0x94: {  	_ =	strace s2  }
0x95: {  	s2 =	sld [smem:$0x3FFD];
	_ =	sdelay $0x3  }
0x96: {  	_ =	strace s2  }
0x97: {  	_ =	strace $0x8FFFFFFF  }
0x98: {  	s19 =	sld [smem:$0x3FDB];
	_ =	sdelay $0x1  }
0x99: {  	s20 =	simm.s32 $_scs_section_size  }
0x9a: {  	s4 =	simm.s32 $_size__tile_overlayer_lowered;
	s5 =	simm.s32 $_tile_overlayer_lowered  }
0x9b: {  	s6 =	simm.s32 $0x1BFF;
	s21 =	sshll.u32 s5, $0x1;
	s3 =	sadd.s32 s20, s19  }
0x9c: {  	s22 =	simm.s32 $0x0;
	s4 =	sshll.u32 s4, $0x1;
	s5 =	sadd.s32 s21, s3  }
0x9d: {  	[timem:s22], [sflag:s6] =	dma.local [hbm:s5], s4  }
0x9e: {  	_ =	swait.ge [sflag:s6], s4  }
0x9f: {  	s4 =	ssub.s32 $0x0, s4;
	[sflag:s6] =	ssyncset.done $0x0  }
0xa0: {  	[sflag:s6] =	ssyncadd.s32 s4;
	_ =	sdelay $0x1  }
0xa1: {  	s23 =	simm.s32 $0x1B8B  }
0xa2: {  	_ =	swait.ge [sflag:s23], $0x1  }
0xa3: {  	[sflag:s23] =	ssyncset.done $0x0  }
0xa4: {  	[sflag:s23] =	ssyncadd.s32 $0xFFFFFFFF  }
0xa5: {  	s4 =	sld [smem:$0x0]  }
0xa6: {  	s5 =	sand.u32 $0xFFFFFFFE, s1  }
0xa7: {  	p0 =	sne.s32 s1, s5  }
0xa8: {  	s5 =	sshll.u32 @p0 s5, $0xE  }
0xa9: {  	s5 =	sadd.s32 @p0 $0x11B8D, s5;
	s6 =	sshll.u32 @p0 s4, $0x11  }
0xaa: {  	s5 =	sor.u32 @p0 s6, s5  }
0xab: {  	[sflag:s5] =	ssyncadd.remote.s32 @p0 $0x1;
	_ =	sdelay $0x1  }
0xac: {  	s5 =	simm.s32 @p0 $0x1B8D  }
0xad: {  	_ =	swait.eq @p0 [sflag:s5], $0x1  }
0xae: {  	[sflag:s5] =	ssyncadd.s32 @p0 $0xFFFFFFFF  }
0xaf: {  	s6 =	sshll.u32 @!p0 s1, $0xE  }
0xb0: {  	s6 =	sor.u32 @!p0 $0x4000, s6;
	s5 =	simm.s32 @!p0 $0x1B8D  }
0xb1: {  	s4 =	sshll.u32 @!p0 s4, $0x11;
	s6 =	sadd.s32 @!p0 $0x11B8D, s6;
	_ =	swait.eq @!p0 [sflag:s5], $0x1  }
0xb2: {  	s4 =	sor.u32 @!p0 s4, s6;
	[sflag:s5] =	ssyncadd.s32 @!p0 $0xFFFFFFFF  }
0xb3: {  	s25 =	simm.s32 $0x1B8E;
	s24 =	sld [smem:$0x3FFE];
	[sflag:s4] =	ssyncadd.remote.s32 @!p0 $0x1  }
0xb4: {  	s26 =	simm.s32 $execute0_lowered;
	[smem:$0x3FD2] =	sst s25  }
0xb5: {  	s5 =	sshll.u32 s26, $0x1;
	_ =	strace $0x8000004C;
	[dreg:$0x1] =	wrdreg $0xFFFFFFFF  }
0xb6: {  	s28 =	simm.s32 $_size_execute0_lowered;
	s3 =	sadd.s32 s3, s5;
	[dreg:$0x0] =	wrdreg $0x0  }
0xb7: {  	s5 =	sshll.u32 s28, $0x1;
	[dreg:$0x2] =	wrdreg s3  }
0xb8: {  	[dreg:$0x3] =	wrdreg s5  }
0xb9: {  	[dreg:$0x4] =	wrdreg $0xC0  }
0xba: {  	_ =	task [dreg:s22], $0x5FFFF  }
0xbb: {  	[dreg:$0x1] =	wrdreg $0xFFFFFFFF  }
0xbc: {  	[dreg:$0x0] =	wrdreg $0x60  }
0xbd: {  	[dreg:$0x2] =	wrdreg s24  }
0xbe: {  	[dreg:$0x3] =	wrdreg $0xA  }
0xbf: {  	_ =	task.clear_ibuf [dreg:s22], $0x4FFFF;
	_ =	strace $0x9000004C  }
0xc0: {  	s29 =	simm.s32 $0xA;
	_ =	strace $0x8000004E  }
0xc1: {  	_ =	swait.ge [sflag:s29], $0x1  }
0xc2: {  	[sflag:s29] =	ssyncadd.s32 $0xFFFFFFFF  }
0xc3: {  	_ =	strace $0x9000004E  }
0xc4: {  	_ =	sfence  }
0xc5: {  	s30 =	sld [smem:$0x0];
	_ =	sdelay $0x2  }
0xc6: {  	s31 =	sshll.u32 s1, $0xD;
	s1 =	sshrl.u32 s1, $0x2  }
0xc7: {  	s4 =	sand.u32 $0x4000, s31;
	s1 =	sadd.s32 s1, s30  }
0xc8: {  	s0 =	sor.u32 s4, s0;
	s1 =	sshll.u32 s1, $0x11  }
0xc9: {  	s0 =	sor.u32 s1, s0  }
0xca: {  	s0 =	sadd.s32 $0x8F2B, s0  }
0xcb: {  	[sflag:s0] =	ssyncadd.remote.s32 $0x1  }
0xcc: {  	_ =	sfence.sel $0xFFFF  }
0xcd: {  	[dreg:$0x0] =	wrdreg $0xFFFFFFFF;
	(pc) =	sbr.abs _section_cstart, $3  }
0xce: {  	[dreg:$0x1] =	wrdreg $0xFFFFFFFF  }
0xcf: {  	_ =	task.clear_ibuf [dreg:s22], $0x2FFFF;
	_ =	strace $0x9FFFFFFF  }
0xd0: {  	(tm) =	ssettm $0x7FFFFFFF  }
0xd1: {  	_ =	shalt  }
tec
execute0_lowered:
.L_overlay_start_1:
0x0: {  	(tag) =	ssettag $0x1  }
0x1: {  	s1 =	srdreg.scid;
	s0 =	stileid.u32  }
0x2: {  	s13 =	sand.u32 $0x1, s1;
	s30 =	sshll.u32 s0, $0x1  }
0x3: {  	s11 =	sor.u32 s13, s30  }
0x4: {  	s18 =	rddreg [dreg:$0x0];
	s3 =	smul.u32 $0x60, s11  }
0x5: {  	s2 =	simm.s32 $0x0;
	s1 =	rddreg [dreg:$0x1]  }
0x6: {  	[smem:$0x7FF] =	sst s2;
	s3 =	sadd.s32 s3, s18  }
0x7: {  	_ =	strace $0x8000004D;
	s4 =	sadd.s32 $0x4000, s3;
	s3 =	simm.s32 $0x2  }
0x8: {  	[tilespmem:s2], [sflag:$0x2] =	stream.linear.gather [hbm4b:s4+s2], $0x300, $0x38;
	[tilespmem:$0x6300] =	vst v63  }
0x9: {  	_ =	swait.ge [sflag:s3], $0x300  }
0xa: {  	s6 =	simm.s32 $0x80;
	s7 =	simm.s32 $0x300;
	[sflag:s3] =	ssyncset.done $0x0  }
0xb: {  	s8 =	simm.s32 $0x1300;
	s5 =	sadd.s32 $0x6600, s18;
	[sflag:s3] =	ssyncadd.s32 $0xFFFFFD00  }
0xc: {  	[tilespmem:s7], [sflag:$0x1] =	stream.indirect.gather [hbm4b:s5+s6], $0x20, s2, s6, $0xb8;
	[tilespmem:$0x6300] =	vst v63  }
0xd: {  	s9 =	simm.s32 $0x100;
	s10 =	simm.s32 $0x2300;
	s12 =	simm.s32 $0x3300  }
0xe: {  	[tilespmem:s8], [sflag:$0x1] =	stream.indirect.gather [hbm4b:s5+s6], $0x20, s6, s6, $0xb8;
	[tilespmem:$0x6300] =	vst v63  }
0xf: {  	s14 =	simm.s32 $0x4300;
	s15 =	simm.s32 $0x280;
	s20 =	ssub.s32 $0x2, s13  }
0x10: {  	[tilespmem:s10], [sflag:$0x1] =	stream.indirect.gather [hbm4b:s5+s6], $0x20, s9, s6, $0xb8;
	[tilespmem:$0x6300] =	vst v63  }
0x11: {  	s19 =	smul.u32 $0xC00, s11;
	s11 =	simm.s32 $0x180;
	s21 =	sshrl.u32 s20, $0x1  }
0x12: {  	[tilespmem:s12], [sflag:$0x1] =	stream.indirect.gather [hbm4b:s5+s6], $0x20, s11, s6, $0xb8;
	[tilespmem:$0x6300] =	vst v63  }
0x13: {  	s16 =	simm.s32 $0x5300;
	s13 =	simm.s32 $0x200;
	s31 =	ssub.s32 s20, s21  }
0x14: {  	[tilespmem:s14], [sflag:$0x1] =	stream.indirect.gather [hbm4b:s5+s6], $0x20, s13, s6, $0xb8;
	[tilespmem:$0x6300] =	vst v63  }
0x15: {  	s17 =	simm.s32 $0x1;
	s18 =	sadd.s32 s19, s18;
	s19 =	smax.u32 s31, $0x1  }
0x16: {  	[tilespmem:s16], [sflag:$0x1] =	stream.indirect.gather [hbm4b:s5+s6], $0x20, s15, s6, $0xb8;
	[tilespmem:$0x6300] =	vst v63  }
0x17: {  	p0 =	sne.s32 s19, $0x1;
	_ =	swait.ge [sflag:s17], $0x6000  }
.Ltmp0:
0x18: {  	[sflag:s17] =	ssyncset.done $0x0;
	(pc) =	sbr.rel @!p0 .LBB2_2-.Ltmp0, $4  }
0x19: {  	s18 =	sadd.s32 $0xA000, s18;
	[sflag:s17] =	ssyncadd.s32 $0xFFFFA000  }
0x1a: {  	[hbm4b:s18+s2] =	stream.linear.scatter [tilespmem:s7], [sflag:$0x2], $0x6000, $0x38;
	[tilespmem:$0x6300] =	vst v63  }
0x1b: {  	_ =	swait.ge [sflag:s3], $0x6000  }
0x1c: {  	s19 =	sadd.s32 $0xFFFFFFFF, s19;
	[sflag:s3] =	ssyncset.done $0x0  }
.LBB2_1:
0x1d: {  	p0 =	sne.s32 s19, $0x1;
	s19 =	sadd.s32 $0xFFFFFFFF, s19;
	[sflag:s3] =	ssyncadd.s32 $0xFFFFA000  }
0x1e: {  	[tilespmem:s2], [sflag:$0x2] =	stream.linear.gather [hbm4b:s4+s2], $0x300, $0x38;
	[tilespmem:$0x6300] =	vst v63  }
0x1f: {  	_ =	swait.ge [sflag:s3], $0x300  }
0x20: {  	[sflag:s3] =	ssyncset.done $0x0  }
0x21: {  	[sflag:s3] =	ssyncadd.s32 $0xFFFFFD00  }
0x22: {  	[tilespmem:s7], [sflag:$0x1] =	stream.indirect.gather [hbm4b:s5+s6], $0x20, s2, s6, $0xb8;
	[tilespmem:$0x6300] =	vst v63  }
0x23: {  	_ = 	snop  }
0x24: {  	[tilespmem:s8], [sflag:$0x1] =	stream.indirect.gather [hbm4b:s5+s6], $0x20, s6, s6, $0xb8;
	[tilespmem:$0x6300] =	vst v63  }
0x25: {  	_ = 	snop  }
0x26: {  	[tilespmem:s10], [sflag:$0x1] =	stream.indirect.gather [hbm4b:s5+s6], $0x20, s9, s6, $0xb8;
	[tilespmem:$0x6300] =	vst v63  }
0x27: {  	_ = 	snop  }
0x28: {  	[tilespmem:s12], [sflag:$0x1] =	stream.indirect.gather [hbm4b:s5+s6], $0x20, s11, s6, $0xb8;
	[tilespmem:$0x6300] =	vst v63  }
0x29: {  	_ = 	snop  }
0x2a: {  	[tilespmem:s14], [sflag:$0x1] =	stream.indirect.gather [hbm4b:s5+s6], $0x20, s13, s6, $0xb8;
	[tilespmem:$0x6300] =	vst v63  }
0x2b: {  	_ = 	snop  }
0x2c: {  	[tilespmem:s16], [sflag:$0x1] =	stream.indirect.gather [hbm4b:s5+s6], $0x20, s15, s6, $0xb8;
	[tilespmem:$0x6300] =	vst v63  }
0x2d: {  	_ =	swait.ge [sflag:s17], $0x6000  }
.Ltmp1:
0x2e: {  	[sflag:s17] =	ssyncset.done $0x0;
	(pc) =	sbr.rel @p0 .LBB2_1-.Ltmp1, $4  }
0x2f: {  	[sflag:s17] =	ssyncadd.s32 $0xFFFFA000  }
0x30: {  	[hbm4b:s18+s2] =	stream.linear.scatter [tilespmem:s7], [sflag:$0x2], $0x6000, $0x38;
	[tilespmem:$0x6300] =	vst v63  }
0x31: {  	_ =	swait.ge [sflag:s3], $0x6000  }
0x32: {  	[sflag:s3] =	ssyncset.done $0x0  }
.LBB2_2:
0x33: {  	[sflag:s3] =	ssyncadd.s32 $0xFFFFA000  }
0x34: {  	_ =	sfence.sel $0x180000  }
0x35: {  	[bflag:$0x0] =	sbarrier.arrive $0xFFFF  }
0x36: {  	p0 =	sne.s32 s0, $0x0;
	_ =	strace $0x9000004D  }
0x37: {  	s0 =	sadd.s32 @!p0 $0x100000, s1;
	[bflag:$0x2] =	sbarrier.arrive $0xFFFF  }
0x38: {  	[sflag:s0] =	ssyncadd.tile.s32 @!p0 $0x1;
	_ =	shalt  }
.Lfunc_end2:
_tile_overlayer_lowered:
.L_overlay_start_2:
0x39: {  	(tag) =	ssettag $0x2  }
0x3a: {  	s0 =	rddreg [dreg:$0x0];
	s2 =	stileid.u32  }
0x3b: {  	s1 =	rddreg [dreg:$0x1];
	p0 =	sne.s32 s2, $0x0  }
0x3c: {  	s3 =	rddreg [dreg:$0x2];
	[bflag:$0x3] =	sbarrier.arrive $0xFFFF;
	s2 =	simm.s32 @!p0 $0x1C02  }
0x3d: {  	[timem:s3], [sflag:s2] =	dma.local @!p0 [hbm:s0], s1  }
0x3e: {  	s0 =	simm.s32 @!p0 $0x2  }
0x3f: {  	_ =	swait.ge @!p0 [sflag:s0], s1  }
0x40: {  	s1 =	ssub.s32 @!p0 $0x0, s1;
	[sflag:s0] =	ssyncset.done @!p0 $0x0  }
0x41: {  	[sflag:s0] =	ssyncadd.s32 @!p0 s1  }
0x42: {  	[bflag:$0x3] =	sbarrier.arrive $0xFFFF  }
0x43: {  	_ =	shalt  }

// kernel: kernel.16.cloned.1.call-start
scs
__scs_entry_jumppad:
0x0: {  	(pc) =	sbr.rel $0x88, $3  }
0x1: {  	(tag) =	ssettag $0x0;
	lr =	simm.s32 $0x1  }
0x2: {  	[smem:$0x3F98] =	sst lr;
	_ =	strace $0xD0000000  }
0x3: {  	_ = 	snop  }
0x4: {  	_ = 	snop  }
0x5: {  	_ = 	snop  }
0x6: {  	_ = 	snop  }
0x7: {  	_ = 	snop  }
__scs_overlays_trampoline_lowered:
0x8: {  	[smem:$0x3FA7] =	sst s0  }
0x9: {  	[smem:$0x3FA8] =	sst s1  }
0xa: {  	[smem:$0x3FA9] =	sst s2  }
0xb: {  	[smem:$0x3FAA] =	sst s3  }
0xc: {  	[smem:$0x3FAB] =	sst s4  }
0xd: {  	[smem:$0x3FAC] =	sst s5  }
0xe: {  	[smem:$0x3FAD] =	sst s6  }
0xf: {  	[smem:$0x3FAE] =	sst s7  }
0x10: {  	[smem:$0x3FAF] =	sst s8  }
0x11: {  	[smem:$0x3FB0] =	sst s9;
	s0 =	simm.s32 @!p0 $0x0  }
0x12: {  	s1 =	sld [smem:$0x3F96];
	s0 =	simm.s32 @p0 $0x1  }
0x13: {  	[smem:$0x3FB1] =	sst s0;
	s0 =	simm.s32 @!p1 $0x0  }
0x14: {  	s2 =	sld [smem:$0x3F95];
	s0 =	simm.s32 @p1 $0x1  }
0x15: {  	[smem:$0x3FB2] =	sst s0;
	s0 =	simm.s32 @!p2 $0x0  }
0x16: {  	s3 =	sld [smem:$0x3FDB];
	s0 =	simm.s32 @p2 $0x1  }
0x17: {  	s4 =	simm.s32 $0x1BF5;
	[smem:$0x3FB4] =	sst s0  }
0x18: {  	s0 =	sld [smem:$0x3F97];
	_ =	swait.ge [sflag:s4], $0x0  }
0x19: {  	s7 =	sld [smem:$0x3F98]  }
0x1a: {  	s8 =	sadd.s32 $0xFFFFE003, lr  }
0x1b: {  	s9 =	sadd.s32 $0xFFFFFEF7, lr;
	s5 =	simm.s32 $0xFFFFFFFF;
	p2 =	slt.u32 s8, $0xFFFFF086  }
0x1c: {  	p1 =	slt.u32 s9, $0xF7A;
	s5 =	simm.s32 @!p2 $0x0  }
0x1d: {  	s5 =	simm.s32 @p1 $0x1;
	p0 =	seq.s32 s7, s2  }
0x1e: {  	s7 =	smul.u32 @!p0 $0xF7A, s2;
	p2 =	seq.s32 @!p0 s5, $0x0  }
0x1f: {  	s9 =	smul.u32 $0xF7A, s1;
	s8 =	simm.s32 @!p0 $0x1BF5;
	p2 =	por !p2, p0  }
0x20: {  	[sflag:s8] =	ssyncset.s32 @!p0 $0xFFFFF086;
	s6 =	sadd.s32 @!p0 s3, s7;
	s7 =	simm.s32 @!p0 $0x108  }
0x21: {  	s3 =	sadd.s32 s3, s9;
	s6 =	sadd.s32 @!p0 $0x88, s6;
	s7 =	simm.s32 @p2 $0x1082  }
0x22: {  	[simem:s7], [sflag:s8] =	dma.local @!p0 [hbm:s6], $0xF7A  }
0x23: {  	s9 =	sor.u32 $0xD0000000, s2;
	s6 =	simm.s32 $0x108;
	_ =	swait.ge @!p0 [sflag:s8], $0x0  }
0x24: {  	s3 =	sadd.s32 $0x88, s3;
	s6 =	simm.s32 @!p1 $0x1082;
	[sflag:s4] =	ssyncset.s32 $0xFFFFF086  }
0x25: {  	[simem:s6], [sflag:s4] =	dma.local [hbm:s3], $0xF7A  }
0x26: {  	[smem:$0x3F98] =	sst s1;
	(tag) =	ssettag s2;
	_ =	strace s9  }
0x27: {  	s1 =	sld [smem:$0x3FA8]  }
0x28: {  	s2 =	sld [smem:$0x3FA9]  }
0x29: {  	s4 =	sld [smem:$0x3FAB]  }
0x2a: {  	p0 =	seq.s32 s5, $0x0;
	s5 =	sld [smem:$0x3FAC]  }
0x2b: {  	s6 =	sld [smem:$0x3FAD]  }
0x2c: {  	s7 =	sld [smem:$0x3FAE]  }
0x2d: {  	s3 =	simm.s32 $0x108;
	s8 =	sld [smem:$0x3FAF]  }
0x2e: {  	s3 =	simm.s32 @!p0 $0x1082;
	s9 =	sld [smem:$0x3FB0]  }
0x2f: {  	lr =	sadd.s32 s0, s3;
	s0 =	sld [smem:$0x3FA7]  }
0x30: {  	s3 =	sld [smem:$0x3FAA]  }
0x31: {  	[smem:$0x3FB3] =	sst s10  }
0x32: {  	s10 =	sld [smem:$0x3FB1];
	_ =	sdelay $0x3  }
0x33: {  	p0 =	seq.s32 s10, $0x1;
	s10 =	sld [smem:$0x3FB3];
	_ =	sdelay $0x3  }
0x34: {  	[smem:$0x3FB3] =	sst s10  }
0x35: {  	s10 =	sld [smem:$0x3FB2];
	_ =	sdelay $0x3  }
0x36: {  	p1 =	seq.s32 s10, $0x1;
	s10 =	sld [smem:$0x3FB3];
	_ =	sdelay $0x3  }
0x37: {  	[smem:$0x3FB3] =	sst s10  }
0x38: {  	s10 =	sld [smem:$0x3FB4]  }
0x39: {  	_ = 	snop;
	(pc) =	sbr.ind lr, $3  }
0x3a: {  	_ = 	snop  }
0x3b: {  	_ = 	snop  }
0x3c: {  	p2 =	seq.s32 s10, $0x1;
	s10 =	sld [smem:$0x3FB3]  }
0x3d: {  	_ =	shalt  }
0x3e: {  	_ =	shalt  }
0x3f: {  	_ =	shalt  }
0x40: {  	_ =	shalt  }
0x41: {  	_ =	shalt  }
0x42: {  	_ =	shalt  }
0x43: {  	_ =	shalt  }
0x44: {  	_ =	shalt  }
0x45: {  	_ =	shalt  }
0x46: {  	_ =	shalt  }
0x47: {  	_ =	shalt  }
0x48: {  	_ =	shalt  }
0x49: {  	_ =	shalt  }
0x4a: {  	_ =	shalt  }
0x4b: {  	_ =	shalt  }
0x4c: {  	_ =	shalt  }
0x4d: {  	_ =	shalt  }
0x4e: {  	_ =	shalt  }
0x4f: {  	_ =	shalt  }
0x50: {  	_ =	shalt  }
0x51: {  	_ =	shalt  }
0x52: {  	_ =	shalt  }
0x53: {  	_ =	shalt  }
0x54: {  	_ =	shalt  }
0x55: {  	_ =	shalt  }
0x56: {  	_ =	shalt  }
0x57: {  	_ =	shalt  }
0x58: {  	_ =	shalt  }
0x59: {  	_ =	shalt  }
0x5a: {  	_ =	shalt  }
0x5b: {  	_ =	shalt  }
0x5c: {  	_ =	shalt  }
0x5d: {  	_ =	shalt  }
0x5e: {  	_ =	shalt  }
0x5f: {  	_ =	shalt  }
0x60: {  	_ =	shalt  }
0x61: {  	_ =	shalt  }
0x62: {  	_ =	shalt  }
0x63: {  	_ =	shalt  }
0x64: {  	_ =	shalt  }
0x65: {  	_ =	shalt  }
0x66: {  	_ =	shalt  }
0x67: {  	_ =	shalt  }
0x68: {  	_ =	shalt  }
0x69: {  	_ =	shalt  }
0x6a: {  	_ =	shalt  }
0x6b: {  	_ =	shalt  }
0x6c: {  	_ =	shalt  }
0x6d: {  	_ =	shalt  }
0x6e: {  	_ =	shalt  }
0x6f: {  	_ =	shalt  }
0x70: {  	_ =	shalt  }
0x71: {  	_ =	shalt  }
0x72: {  	_ =	shalt  }
0x73: {  	_ =	shalt  }
0x74: {  	_ =	shalt  }
0x75: {  	_ =	shalt  }
0x76: {  	_ =	shalt  }
0x77: {  	_ =	shalt  }
0x78: {  	_ =	shalt  }
0x79: {  	_ =	shalt  }
0x7a: {  	_ =	shalt  }
0x7b: {  	_ =	shalt  }
0x7c: {  	_ =	shalt  }
0x7d: {  	_ =	shalt  }
0x7e: {  	_ =	shalt  }
0x7f: {  	_ =	shalt  }
0x80: {  	_ =	shalt  }
0x81: {  	_ =	shalt  }
0x82: {  	_ =	shalt  }
0x83: {  	_ =	shalt  }
0x84: {  	_ =	shalt  }
0x85: {  	_ =	shalt  }
0x86: {  	_ =	shalt  }
0x87: {  	_ =	shalt  }
.Lfunc_end0:
.L_simem_size_0:
called_computation.3_lowered:
.L_overlay_start_0:
0x88: {  	s2 =	sld [smem:$0x3FD9]  }
0x89: {  	s3 =	sld [smem:$0x3FFE];
	_ =	sdelay $0x1  }
0x8a: {  	s1 =	srdreg.scid  }
0x8b: {  	s0 =	sand.u32 $0x1, s1  }
0x8c: {  	s17 =	sshll.u32 s0, $0xA;
	s2 =	sadd.s32 s3, s2  }
0x8d: {  	s2 =	sadd.s32 s2, s17  }
0x8e: {  	[smem:$0x3FBF] =	sst s2  }
0x8f: {  	_ = 	snop  }
0x90: {  	(tm) =	ssettm $0x1  }
0x91: {  	s18 =	sld [smem:$0x3FFB];
	_ =	sdelay $0x3  }
0x92: {  	_ =	strace s18  }
0x93: {  	s2 =	sld [smem:$0x3FFC];
	_ =	sdelay $0x3  }
0x94: {  	_ =	strace s2  }
0x95: {  	s2 =	sld [smem:$0x3FFD];
	_ =	sdelay $0x3  }
0x96: {  	_ =	strace s2  }
0x97: {  	_ =	strace $0x8FFFFFFF  }
0x98: {  	s19 =	sld [smem:$0x3FDB];
	_ =	sdelay $0x1  }
0x99: {  	s20 =	simm.s32 $_scs_section_size  }
0x9a: {  	s4 =	simm.s32 $_size__tile_overlayer_lowered;
	s5 =	simm.s32 $_tile_overlayer_lowered  }
0x9b: {  	s6 =	simm.s32 $0x1BFF;
	s21 =	sshll.u32 s5, $0x1;
	s3 =	sadd.s32 s20, s19  }
0x9c: {  	s22 =	simm.s32 $0x0;
	s4 =	sshll.u32 s4, $0x1;
	s5 =	sadd.s32 s21, s3  }
0x9d: {  	[timem:s22], [sflag:s6] =	dma.local [hbm:s5], s4  }
0x9e: {  	_ =	swait.ge [sflag:s6], s4  }
0x9f: {  	s4 =	ssub.s32 $0x0, s4;
	[sflag:s6] =	ssyncset.done $0x0  }
0xa0: {  	[sflag:s6] =	ssyncadd.s32 s4;
	_ =	sdelay $0x1  }
0xa1: {  	s23 =	simm.s32 $0x1B8B  }
0xa2: {  	_ =	swait.ge [sflag:s23], $0x1  }
0xa3: {  	[sflag:s23] =	ssyncset.done $0x0  }
0xa4: {  	[sflag:s23] =	ssyncadd.s32 $0xFFFFFFFF  }
0xa5: {  	s4 =	sld [smem:$0x0]  }
0xa6: {  	s5 =	sand.u32 $0xFFFFFFFE, s1  }
0xa7: {  	p0 =	sne.s32 s1, s5  }
0xa8: {  	s5 =	sshll.u32 @p0 s5, $0xE  }
0xa9: {  	s5 =	sadd.s32 @p0 $0x11B8D, s5;
	s6 =	sshll.u32 @p0 s4, $0x11  }
0xaa: {  	s5 =	sor.u32 @p0 s6, s5  }
0xab: {  	[sflag:s5] =	ssyncadd.remote.s32 @p0 $0x1;
	_ =	sdelay $0x1  }
0xac: {  	s5 =	simm.s32 @p0 $0x1B8D  }
0xad: {  	_ =	swait.eq @p0 [sflag:s5], $0x1  }
0xae: {  	[sflag:s5] =	ssyncadd.s32 @p0 $0xFFFFFFFF  }
0xaf: {  	s6 =	sshll.u32 @!p0 s1, $0xE  }
0xb0: {  	s6 =	sor.u32 @!p0 $0x4000, s6;
	s5 =	simm.s32 @!p0 $0x1B8D  }
0xb1: {  	s4 =	sshll.u32 @!p0 s4, $0x11;
	s6 =	sadd.s32 @!p0 $0x11B8D, s6;
	_ =	swait.eq @!p0 [sflag:s5], $0x1  }
0xb2: {  	s4 =	sor.u32 @!p0 s4, s6;
	[sflag:s5] =	ssyncadd.s32 @!p0 $0xFFFFFFFF  }
0xb3: {  	s25 =	simm.s32 $0x1B8E;
	s24 =	sld [smem:$0x3FFE];
	[sflag:s4] =	ssyncadd.remote.s32 @!p0 $0x1  }
0xb4: {  	s26 =	simm.s32 $execute0_lowered;
	[smem:$0x3FD2] =	sst s25  }
0xb5: {  	s5 =	sshll.u32 s26, $0x1;
	_ =	strace $0x8000004F;
	[dreg:$0x1] =	wrdreg $0xFFFFFFFF  }
0xb6: {  	s28 =	simm.s32 $_size_execute0_lowered;
	s3 =	sadd.s32 s3, s5;
	[dreg:$0x0] =	wrdreg $0x0  }
0xb7: {  	s5 =	sshll.u32 s28, $0x1;
	[dreg:$0x2] =	wrdreg s3  }
0xb8: {  	[dreg:$0x3] =	wrdreg s5  }
0xb9: {  	[dreg:$0x4] =	wrdreg $0xC0  }
0xba: {  	_ =	task [dreg:s22], $0x5FFFF  }
0xbb: {  	[dreg:$0x1] =	wrdreg $0xFFFFFFFF  }
0xbc: {  	[dreg:$0x0] =	wrdreg $0x60  }
0xbd: {  	[dreg:$0x2] =	wrdreg s24  }
0xbe: {  	[dreg:$0x3] =	wrdreg $0xB  }
0xbf: {  	_ =	task.clear_ibuf [dreg:s22], $0x4FFFF;
	_ =	strace $0x9000004F  }
0xc0: {  	s29 =	simm.s32 $0xB;
	_ =	strace $0x80000051  }
0xc1: {  	_ =	swait.ge [sflag:s29], $0x1  }
0xc2: {  	[sflag:s29] =	ssyncadd.s32 $0xFFFFFFFF  }
0xc3: {  	_ =	strace $0x90000051  }
0xc4: {  	_ =	sfence  }
0xc5: {  	s30 =	sld [smem:$0x0];
	_ =	sdelay $0x2  }
0xc6: {  	s31 =	sshll.u32 s1, $0xD;
	s1 =	sshrl.u32 s1, $0x2  }
0xc7: {  	s4 =	sand.u32 $0x4000, s31;
	s1 =	sadd.s32 s1, s30  }
0xc8: {  	s0 =	sor.u32 s4, s0;
	s1 =	sshll.u32 s1, $0x11  }
0xc9: {  	s0 =	sor.u32 s1, s0  }
0xca: {  	s0 =	sadd.s32 $0x8F2B, s0  }
0xcb: {  	[sflag:s0] =	ssyncadd.remote.s32 $0x1  }
0xcc: {  	_ =	sfence.sel $0xFFFF  }
0xcd: {  	[dreg:$0x0] =	wrdreg $0xFFFFFFFF;
	(pc) =	sbr.abs _section_cstart, $3  }
0xce: {  	[dreg:$0x1] =	wrdreg $0xFFFFFFFF  }
0xcf: {  	_ =	task.clear_ibuf [dreg:s22], $0x2FFFF;
	_ =	strace $0x9FFFFFFF  }
0xd0: {  	(tm) =	ssettm $0x7FFFFFFF  }
0xd1: {  	_ =	shalt  }
tec
execute0_lowered:
.L_overlay_start_1:
0x0: {  	(tag) =	ssettag $0x1  }
0x1: {  	s1 =	srdreg.scid;
	s0 =	stileid.u32  }
0x2: {  	s13 =	sand.u32 $0x1, s1;
	s30 =	sshll.u32 s0, $0x1  }
0x3: {  	s11 =	sor.u32 s13, s30  }
0x4: {  	s18 =	rddreg [dreg:$0x0];
	s3 =	smul.u32 $0x60, s11  }
0x5: {  	s2 =	simm.s32 $0x0;
	s1 =	rddreg [dreg:$0x1]  }
0x6: {  	[smem:$0x7FF] =	sst s2;
	s3 =	sadd.s32 s3, s18  }
0x7: {  	_ =	strace $0x80000050;
	s4 =	sadd.s32 $0x4C00, s3;
	s3 =	simm.s32 $0x2  }
0x8: {  	[tilespmem:s2], [sflag:$0x2] =	stream.linear.gather [hbm4b:s4+s2], $0x300, $0x38;
	[tilespmem:$0x6300] =	vst v63  }
0x9: {  	_ =	swait.ge [sflag:s3], $0x300  }
0xa: {  	s6 =	simm.s32 $0x80;
	s7 =	simm.s32 $0x300;
	[sflag:s3] =	ssyncset.done $0x0  }
0xb: {  	s8 =	simm.s32 $0x1300;
	s5 =	sadd.s32 $0x6600, s18;
	[sflag:s3] =	ssyncadd.s32 $0xFFFFFD00  }
0xc: {  	[tilespmem:s7], [sflag:$0x1] =	stream.indirect.gather [hbm4b:s5+s6], $0x20, s2, s6, $0xb8;
	[tilespmem:$0x6300] =	vst v63  }
0xd: {  	s9 =	simm.s32 $0x100;
	s10 =	simm.s32 $0x2300;
	s12 =	simm.s32 $0x3300  }
0xe: {  	[tilespmem:s8], [sflag:$0x1] =	stream.indirect.gather [hbm4b:s5+s6], $0x20, s6, s6, $0xb8;
	[tilespmem:$0x6300] =	vst v63  }
0xf: {  	s14 =	simm.s32 $0x4300;
	s15 =	simm.s32 $0x280;
	s20 =	ssub.s32 $0x2, s13  }
0x10: {  	[tilespmem:s10], [sflag:$0x1] =	stream.indirect.gather [hbm4b:s5+s6], $0x20, s9, s6, $0xb8;
	[tilespmem:$0x6300] =	vst v63  }
0x11: {  	s19 =	smul.u32 $0xC00, s11;
	s11 =	simm.s32 $0x180;
	s21 =	sshrl.u32 s20, $0x1  }
0x12: {  	[tilespmem:s12], [sflag:$0x1] =	stream.indirect.gather [hbm4b:s5+s6], $0x20, s11, s6, $0xb8;
	[tilespmem:$0x6300] =	vst v63  }
0x13: {  	s16 =	simm.s32 $0x5300;
	s13 =	simm.s32 $0x200;
	s31 =	ssub.s32 s20, s21  }
0x14: {  	[tilespmem:s14], [sflag:$0x1] =	stream.indirect.gather [hbm4b:s5+s6], $0x20, s13, s6, $0xb8;
	[tilespmem:$0x6300] =	vst v63  }
0x15: {  	s17 =	simm.s32 $0x1;
	s18 =	sadd.s32 s19, s18;
	s19 =	smax.u32 s31, $0x1  }
0x16: {  	[tilespmem:s16], [sflag:$0x1] =	stream.indirect.gather [hbm4b:s5+s6], $0x20, s15, s6, $0xb8;
	[tilespmem:$0x6300] =	vst v63  }
0x17: {  	p0 =	sne.s32 s19, $0x1;
	_ =	swait.ge [sflag:s17], $0x6000  }
.Ltmp0:
0x18: {  	[sflag:s17] =	ssyncset.done $0x0;
	(pc) =	sbr.rel @!p0 .LBB2_2-.Ltmp0, $4  }
0x19: {  	s18 =	sadd.s32 $0x22000, s18;
	[sflag:s17] =	ssyncadd.s32 $0xFFFFA000  }
0x1a: {  	[hbm4b:s18+s2] =	stream.linear.scatter [tilespmem:s7], [sflag:$0x2], $0x6000, $0x38;
	[tilespmem:$0x6300] =	vst v63  }
0x1b: {  	_ =	swait.ge [sflag:s3], $0x6000  }
0x1c: {  	s19 =	sadd.s32 $0xFFFFFFFF, s19;
	[sflag:s3] =	ssyncset.done $0x0  }
.LBB2_1:
0x1d: {  	p0 =	sne.s32 s19, $0x1;
	s19 =	sadd.s32 $0xFFFFFFFF, s19;
	[sflag:s3] =	ssyncadd.s32 $0xFFFFA000  }
0x1e: {  	[tilespmem:s2], [sflag:$0x2] =	stream.linear.gather [hbm4b:s4+s2], $0x300, $0x38;
	[tilespmem:$0x6300] =	vst v63  }
0x1f: {  	_ =	swait.ge [sflag:s3], $0x300  }
0x20: {  	[sflag:s3] =	ssyncset.done $0x0  }
0x21: {  	[sflag:s3] =	ssyncadd.s32 $0xFFFFFD00  }
0x22: {  	[tilespmem:s7], [sflag:$0x1] =	stream.indirect.gather [hbm4b:s5+s6], $0x20, s2, s6, $0xb8;
	[tilespmem:$0x6300] =	vst v63  }
0x23: {  	_ = 	snop  }
0x24: {  	[tilespmem:s8], [sflag:$0x1] =	stream.indirect.gather [hbm4b:s5+s6], $0x20, s6, s6, $0xb8;
	[tilespmem:$0x6300] =	vst v63  }
0x25: {  	_ = 	snop  }
0x26: {  	[tilespmem:s10], [sflag:$0x1] =	stream.indirect.gather [hbm4b:s5+s6], $0x20, s9, s6, $0xb8;
	[tilespmem:$0x6300] =	vst v63  }
0x27: {  	_ = 	snop  }
0x28: {  	[tilespmem:s12], [sflag:$0x1] =	stream.indirect.gather [hbm4b:s5+s6], $0x20, s11, s6, $0xb8;
	[tilespmem:$0x6300] =	vst v63  }
0x29: {  	_ = 	snop  }
0x2a: {  	[tilespmem:s14], [sflag:$0x1] =	stream.indirect.gather [hbm4b:s5+s6], $0x20, s13, s6, $0xb8;
	[tilespmem:$0x6300] =	vst v63  }
0x2b: {  	_ = 	snop  }
0x2c: {  	[tilespmem:s16], [sflag:$0x1] =	stream.indirect.gather [hbm4b:s5+s6], $0x20, s15, s6, $0xb8;
	[tilespmem:$0x6300] =	vst v63  }
0x2d: {  	_ =	swait.ge [sflag:s17], $0x6000  }
.Ltmp1:
0x2e: {  	[sflag:s17] =	ssyncset.done $0x0;
	(pc) =	sbr.rel @p0 .LBB2_1-.Ltmp1, $4  }
0x2f: {  	[sflag:s17] =	ssyncadd.s32 $0xFFFFA000  }
0x30: {  	[hbm4b:s18+s2] =	stream.linear.scatter [tilespmem:s7], [sflag:$0x2], $0x6000, $0x38;
	[tilespmem:$0x6300] =	vst v63  }
0x31: {  	_ =	swait.ge [sflag:s3], $0x6000  }
0x32: {  	[sflag:s3] =	ssyncset.done $0x0  }
.LBB2_2:
0x33: {  	[sflag:s3] =	ssyncadd.s32 $0xFFFFA000  }
0x34: {  	_ =	sfence.sel $0x180000  }
0x35: {  	[bflag:$0x0] =	sbarrier.arrive $0xFFFF  }
0x36: {  	p0 =	sne.s32 s0, $0x0;
	_ =	strace $0x90000050  }
0x37: {  	s0 =	sadd.s32 @!p0 $0x100000, s1;
	[bflag:$0x2] =	sbarrier.arrive $0xFFFF  }
0x38: {  	[sflag:s0] =	ssyncadd.tile.s32 @!p0 $0x1;
	_ =	shalt  }
.Lfunc_end2:
_tile_overlayer_lowered:
.L_overlay_start_2:
0x39: {  	(tag) =	ssettag $0x2  }
0x3a: {  	s0 =	rddreg [dreg:$0x0];
	s2 =	stileid.u32  }
0x3b: {  	s1 =	rddreg [dreg:$0x1];
	p0 =	sne.s32 s2, $0x0  }
0x3c: {  	s3 =	rddreg [dreg:$0x2];
	[bflag:$0x3] =	sbarrier.arrive $0xFFFF;
	s2 =	simm.s32 @!p0 $0x1C02  }
0x3d: {  	[timem:s3], [sflag:s2] =	dma.local @!p0 [hbm:s0], s1  }
0x3e: {  	s0 =	simm.s32 @!p0 $0x2  }
0x3f: {  	_ =	swait.ge @!p0 [sflag:s0], s1  }
0x40: {  	s1 =	ssub.s32 @!p0 $0x0, s1;
	[sflag:s0] =	ssyncset.done @!p0 $0x0  }
0x41: {  	[sflag:s0] =	ssyncadd.s32 @!p0 s1  }
0x42: {  	[bflag:$0x3] =	sbarrier.arrive $0xFFFF  }
0x43: {  	_ =	shalt  }

// kernel: kernel.19.cloned.1.call-start
scs
__scs_entry_jumppad:
0x0: {  	(pc) =	sbr.rel $0x88, $3  }
0x1: {  	(tag) =	ssettag $0x0;
	lr =	simm.s32 $0x1  }
0x2: {  	[smem:$0x3F98] =	sst lr;
	_ =	strace $0xD0000000  }
0x3: {  	_ = 	snop  }
0x4: {  	_ = 	snop  }
0x5: {  	_ = 	snop  }
0x6: {  	_ = 	snop  }
0x7: {  	_ = 	snop  }
__scs_overlays_trampoline_lowered:
0x8: {  	[smem:$0x3FA7] =	sst s0  }
0x9: {  	[smem:$0x3FA8] =	sst s1  }
0xa: {  	[smem:$0x3FA9] =	sst s2  }
0xb: {  	[smem:$0x3FAA] =	sst s3  }
0xc: {  	[smem:$0x3FAB] =	sst s4  }
0xd: {  	[smem:$0x3FAC] =	sst s5  }
0xe: {  	[smem:$0x3FAD] =	sst s6  }
0xf: {  	[smem:$0x3FAE] =	sst s7  }
0x10: {  	[smem:$0x3FAF] =	sst s8  }
0x11: {  	[smem:$0x3FB0] =	sst s9;
	s0 =	simm.s32 @!p0 $0x0  }
0x12: {  	s1 =	sld [smem:$0x3F96];
	s0 =	simm.s32 @p0 $0x1  }
0x13: {  	[smem:$0x3FB1] =	sst s0;
	s0 =	simm.s32 @!p1 $0x0  }
0x14: {  	s2 =	sld [smem:$0x3F95];
	s0 =	simm.s32 @p1 $0x1  }
0x15: {  	[smem:$0x3FB2] =	sst s0;
	s0 =	simm.s32 @!p2 $0x0  }
0x16: {  	s3 =	sld [smem:$0x3FDB];
	s0 =	simm.s32 @p2 $0x1  }
0x17: {  	s4 =	simm.s32 $0x1BF5;
	[smem:$0x3FB4] =	sst s0  }
0x18: {  	s0 =	sld [smem:$0x3F97];
	_ =	swait.ge [sflag:s4], $0x0  }
0x19: {  	s7 =	sld [smem:$0x3F98]  }
0x1a: {  	s8 =	sadd.s32 $0xFFFFE003, lr  }
0x1b: {  	s9 =	sadd.s32 $0xFFFFFEF7, lr;
	s5 =	simm.s32 $0xFFFFFFFF;
	p2 =	slt.u32 s8, $0xFFFFF086  }
0x1c: {  	p1 =	slt.u32 s9, $0xF7A;
	s5 =	simm.s32 @!p2 $0x0  }
0x1d: {  	s5 =	simm.s32 @p1 $0x1;
	p0 =	seq.s32 s7, s2  }
0x1e: {  	s7 =	smul.u32 @!p0 $0xF7A, s2;
	p2 =	seq.s32 @!p0 s5, $0x0  }
0x1f: {  	s9 =	smul.u32 $0xF7A, s1;
	s8 =	simm.s32 @!p0 $0x1BF5;
	p2 =	por !p2, p0  }
0x20: {  	[sflag:s8] =	ssyncset.s32 @!p0 $0xFFFFF086;
	s6 =	sadd.s32 @!p0 s3, s7;
	s7 =	simm.s32 @!p0 $0x108  }
0x21: {  	s3 =	sadd.s32 s3, s9;
	s6 =	sadd.s32 @!p0 $0x88, s6;
	s7 =	simm.s32 @p2 $0x1082  }
0x22: {  	[simem:s7], [sflag:s8] =	dma.local @!p0 [hbm:s6], $0xF7A  }
0x23: {  	s9 =	sor.u32 $0xD0000000, s2;
	s6 =	simm.s32 $0x108;
	_ =	swait.ge @!p0 [sflag:s8], $0x0  }
0x24: {  	s3 =	sadd.s32 $0x88, s3;
	s6 =	simm.s32 @!p1 $0x1082;
	[sflag:s4] =	ssyncset.s32 $0xFFFFF086  }
0x25: {  	[simem:s6], [sflag:s4] =	dma.local [hbm:s3], $0xF7A  }
0x26: {  	[smem:$0x3F98] =	sst s1;
	(tag) =	ssettag s2;
	_ =	strace s9  }
0x27: {  	s1 =	sld [smem:$0x3FA8]  }
0x28: {  	s2 =	sld [smem:$0x3FA9]  }
0x29: {  	s4 =	sld [smem:$0x3FAB]  }
0x2a: {  	p0 =	seq.s32 s5, $0x0;
	s5 =	sld [smem:$0x3FAC]  }
0x2b: {  	s6 =	sld [smem:$0x3FAD]  }
0x2c: {  	s7 =	sld [smem:$0x3FAE]  }
0x2d: {  	s3 =	simm.s32 $0x108;
	s8 =	sld [smem:$0x3FAF]  }
0x2e: {  	s3 =	simm.s32 @!p0 $0x1082;
	s9 =	sld [smem:$0x3FB0]  }
0x2f: {  	lr =	sadd.s32 s0, s3;
	s0 =	sld [smem:$0x3FA7]  }
0x30: {  	s3 =	sld [smem:$0x3FAA]  }
0x31: {  	[smem:$0x3FB3] =	sst s10  }
0x32: {  	s10 =	sld [smem:$0x3FB1];
	_ =	sdelay $0x3  }
0x33: {  	p0 =	seq.s32 s10, $0x1;
	s10 =	sld [smem:$0x3FB3];
	_ =	sdelay $0x3  }
0x34: {  	[smem:$0x3FB3] =	sst s10  }
0x35: {  	s10 =	sld [smem:$0x3FB2];
	_ =	sdelay $0x3  }
0x36: {  	p1 =	seq.s32 s10, $0x1;
	s10 =	sld [smem:$0x3FB3];
	_ =	sdelay $0x3  }
0x37: {  	[smem:$0x3FB3] =	sst s10  }
0x38: {  	s10 =	sld [smem:$0x3FB4]  }
0x39: {  	_ = 	snop;
	(pc) =	sbr.ind lr, $3  }
0x3a: {  	_ = 	snop  }
0x3b: {  	_ = 	snop  }
0x3c: {  	p2 =	seq.s32 s10, $0x1;
	s10 =	sld [smem:$0x3FB3]  }
0x3d: {  	_ =	shalt  }
0x3e: {  	_ =	shalt  }
0x3f: {  	_ =	shalt  }
0x40: {  	_ =	shalt  }
0x41: {  	_ =	shalt  }
0x42: {  	_ =	shalt  }
0x43: {  	_ =	shalt  }
0x44: {  	_ =	shalt  }
0x45: {  	_ =	shalt  }
0x46: {  	_ =	shalt  }
0x47: {  	_ =	shalt  }
0x48: {  	_ =	shalt  }
0x49: {  	_ =	shalt  }
0x4a: {  	_ =	shalt  }
0x4b: {  	_ =	shalt  }
0x4c: {  	_ =	shalt  }
0x4d: {  	_ =	shalt  }
0x4e: {  	_ =	shalt  }
0x4f: {  	_ =	shalt  }
0x50: {  	_ =	shalt  }
0x51: {  	_ =	shalt  }
0x52: {  	_ =	shalt  }
0x53: {  	_ =	shalt  }
0x54: {  	_ =	shalt  }
0x55: {  	_ =	shalt  }
0x56: {  	_ =	shalt  }
0x57: {  	_ =	shalt  }
0x58: {  	_ =	shalt  }
0x59: {  	_ =	shalt  }
0x5a: {  	_ =	shalt  }
0x5b: {  	_ =	shalt  }
0x5c: {  	_ =	shalt  }
0x5d: {  	_ =	shalt  }
0x5e: {  	_ =	shalt  }
0x5f: {  	_ =	shalt  }
0x60: {  	_ =	shalt  }
0x61: {  	_ =	shalt  }
0x62: {  	_ =	shalt  }
0x63: {  	_ =	shalt  }
0x64: {  	_ =	shalt  }
0x65: {  	_ =	shalt  }
0x66: {  	_ =	shalt  }
0x67: {  	_ =	shalt  }
0x68: {  	_ =	shalt  }
0x69: {  	_ =	shalt  }
0x6a: {  	_ =	shalt  }
0x6b: {  	_ =	shalt  }
0x6c: {  	_ =	shalt  }
0x6d: {  	_ =	shalt  }
0x6e: {  	_ =	shalt  }
0x6f: {  	_ =	shalt  }
0x70: {  	_ =	shalt  }
0x71: {  	_ =	shalt  }
0x72: {  	_ =	shalt  }
0x73: {  	_ =	shalt  }
0x74: {  	_ =	shalt  }
0x75: {  	_ =	shalt  }
0x76: {  	_ =	shalt  }
0x77: {  	_ =	shalt  }
0x78: {  	_ =	shalt  }
0x79: {  	_ =	shalt  }
0x7a: {  	_ =	shalt  }
0x7b: {  	_ =	shalt  }
0x7c: {  	_ =	shalt  }
0x7d: {  	_ =	shalt  }
0x7e: {  	_ =	shalt  }
0x7f: {  	_ =	shalt  }
0x80: {  	_ =	shalt  }
0x81: {  	_ =	shalt  }
0x82: {  	_ =	shalt  }
0x83: {  	_ =	shalt  }
0x84: {  	_ =	shalt  }
0x85: {  	_ =	shalt  }
0x86: {  	_ =	shalt  }
0x87: {  	_ =	shalt  }
.Lfunc_end0:
.L_simem_size_0:
called_computation.4_lowered:
.L_overlay_start_0:
0x88: {  	s2 =	sld [smem:$0x3FD9]  }
0x89: {  	s3 =	sld [smem:$0x3FFE];
	_ =	sdelay $0x1  }
0x8a: {  	s1 =	srdreg.scid  }
0x8b: {  	s0 =	sand.u32 $0x1, s1  }
0x8c: {  	s17 =	sshll.u32 s0, $0xA;
	s2 =	sadd.s32 s3, s2  }
0x8d: {  	s2 =	sadd.s32 s2, s17  }
0x8e: {  	[smem:$0x3FBF] =	sst s2  }
0x8f: {  	_ = 	snop  }
0x90: {  	(tm) =	ssettm $0x1  }
0x91: {  	s18 =	sld [smem:$0x3FFB];
	_ =	sdelay $0x3  }
0x92: {  	_ =	strace s18  }
0x93: {  	s2 =	sld [smem:$0x3FFC];
	_ =	sdelay $0x3  }
0x94: {  	_ =	strace s2  }
0x95: {  	s2 =	sld [smem:$0x3FFD];
	_ =	sdelay $0x3  }
0x96: {  	_ =	strace s2  }
0x97: {  	_ =	strace $0x8FFFFFFF  }
0x98: {  	s19 =	sld [smem:$0x3FDB];
	_ =	sdelay $0x1  }
0x99: {  	s20 =	simm.s32 $_scs_section_size  }
0x9a: {  	s4 =	simm.s32 $_size__tile_overlayer_lowered;
	s5 =	simm.s32 $_tile_overlayer_lowered  }
0x9b: {  	s6 =	simm.s32 $0x1BFF;
	s21 =	sshll.u32 s5, $0x1;
	s3 =	sadd.s32 s20, s19  }
0x9c: {  	s22 =	simm.s32 $0x0;
	s4 =	sshll.u32 s4, $0x1;
	s5 =	sadd.s32 s21, s3  }
0x9d: {  	[timem:s22], [sflag:s6] =	dma.local [hbm:s5], s4  }
0x9e: {  	_ =	swait.ge [sflag:s6], s4  }
0x9f: {  	s4 =	ssub.s32 $0x0, s4;
	[sflag:s6] =	ssyncset.done $0x0  }
0xa0: {  	[sflag:s6] =	ssyncadd.s32 s4;
	_ =	sdelay $0x1  }
0xa1: {  	s23 =	simm.s32 $0x1B8B  }
0xa2: {  	_ =	swait.ge [sflag:s23], $0x1  }
0xa3: {  	[sflag:s23] =	ssyncset.done $0x0  }
0xa4: {  	[sflag:s23] =	ssyncadd.s32 $0xFFFFFFFF  }
0xa5: {  	s4 =	sld [smem:$0x0]  }
0xa6: {  	s5 =	sand.u32 $0xFFFFFFFE, s1  }
0xa7: {  	p0 =	sne.s32 s1, s5  }
0xa8: {  	s5 =	sshll.u32 @p0 s5, $0xE  }
0xa9: {  	s5 =	sadd.s32 @p0 $0x11B8D, s5;
	s6 =	sshll.u32 @p0 s4, $0x11  }
0xaa: {  	s5 =	sor.u32 @p0 s6, s5  }
0xab: {  	[sflag:s5] =	ssyncadd.remote.s32 @p0 $0x1;
	_ =	sdelay $0x1  }
0xac: {  	s5 =	simm.s32 @p0 $0x1B8D  }
0xad: {  	_ =	swait.eq @p0 [sflag:s5], $0x1  }
0xae: {  	[sflag:s5] =	ssyncadd.s32 @p0 $0xFFFFFFFF  }
0xaf: {  	s6 =	sshll.u32 @!p0 s1, $0xE  }
0xb0: {  	s6 =	sor.u32 @!p0 $0x4000, s6;
	s5 =	simm.s32 @!p0 $0x1B8D  }
0xb1: {  	s4 =	sshll.u32 @!p0 s4, $0x11;
	s6 =	sadd.s32 @!p0 $0x11B8D, s6;
	_ =	swait.eq @!p0 [sflag:s5], $0x1  }
0xb2: {  	s4 =	sor.u32 @!p0 s4, s6;
	[sflag:s5] =	ssyncadd.s32 @!p0 $0xFFFFFFFF  }
0xb3: {  	s25 =	simm.s32 $0x1B8E;
	s24 =	sld [smem:$0x3FFE];
	[sflag:s4] =	ssyncadd.remote.s32 @!p0 $0x1  }
0xb4: {  	s26 =	simm.s32 $execute0_lowered;
	[smem:$0x3FD2] =	sst s25  }
0xb5: {  	s5 =	sshll.u32 s26, $0x1;
	_ =	strace $0x80000052;
	[dreg:$0x1] =	wrdreg $0xFFFFFFFF  }
0xb6: {  	s28 =	simm.s32 $_size_execute0_lowered;
	s3 =	sadd.s32 s3, s5;
	[dreg:$0x0] =	wrdreg $0x0  }
0xb7: {  	s5 =	sshll.u32 s28, $0x1;
	[dreg:$0x2] =	wrdreg s3  }
0xb8: {  	[dreg:$0x3] =	wrdreg s5  }
0xb9: {  	[dreg:$0x4] =	wrdreg $0xC0  }
0xba: {  	_ =	task [dreg:s22], $0x5FFFF  }
0xbb: {  	[dreg:$0x1] =	wrdreg $0xFFFFFFFF  }
0xbc: {  	[dreg:$0x0] =	wrdreg $0x60  }
0xbd: {  	[dreg:$0x2] =	wrdreg s24  }
0xbe: {  	[dreg:$0x3] =	wrdreg $0xC  }
0xbf: {  	_ =	task.clear_ibuf [dreg:s22], $0x4FFFF;
	_ =	strace $0x90000052  }
0xc0: {  	s29 =	simm.s32 $0xC;
	_ =	strace $0x80000054  }
0xc1: {  	_ =	swait.ge [sflag:s29], $0x1  }
0xc2: {  	[sflag:s29] =	ssyncadd.s32 $0xFFFFFFFF  }
0xc3: {  	_ =	strace $0x90000054  }
0xc4: {  	_ =	sfence  }
0xc5: {  	s30 =	sld [smem:$0x0];
	_ =	sdelay $0x2  }
0xc6: {  	s31 =	sshll.u32 s1, $0xD;
	s1 =	sshrl.u32 s1, $0x2  }
0xc7: {  	s4 =	sand.u32 $0x4000, s31;
	s1 =	sadd.s32 s1, s30  }
0xc8: {  	s0 =	sor.u32 s4, s0;
	s1 =	sshll.u32 s1, $0x11  }
0xc9: {  	s0 =	sor.u32 s1, s0  }
0xca: {  	s0 =	sadd.s32 $0x8F2B, s0  }
0xcb: {  	[sflag:s0] =	ssyncadd.remote.s32 $0x1  }
0xcc: {  	_ =	sfence.sel $0xFFFF  }
0xcd: {  	[dreg:$0x0] =	wrdreg $0xFFFFFFFF;
	(pc) =	sbr.abs _section_cstart, $3  }
0xce: {  	[dreg:$0x1] =	wrdreg $0xFFFFFFFF  }
0xcf: {  	_ =	task.clear_ibuf [dreg:s22], $0x2FFFF;
	_ =	strace $0x9FFFFFFF  }
0xd0: {  	(tm) =	ssettm $0x7FFFFFFF  }
0xd1: {  	_ =	shalt  }
tec
execute0_lowered:
.L_overlay_start_1:
0x0: {  	(tag) =	ssettag $0x1  }
0x1: {  	s1 =	srdreg.scid;
	s0 =	stileid.u32  }
0x2: {  	s15 =	sand.u32 $0x1, s1;
	s30 =	sshll.u32 s0, $0x1  }
0x3: {  	s13 =	sor.u32 s15, s30  }
0x4: {  	s20 =	rddreg [dreg:$0x0];
	s3 =	smul.u32 $0x70, s13  }
0x5: {  	s2 =	simm.s32 $0x0;
	s1 =	rddreg [dreg:$0x1]  }
0x6: {  	[smem:$0x7FF] =	sst s2;
	s3 =	sadd.s32 s3, s20  }
0x7: {  	_ =	strace $0x80000053;
	s4 =	sadd.s32 $0x5800, s3;
	s3 =	simm.s32 $0x2  }
0x8: {  	[tilespmem:s2], [sflag:$0x2] =	stream.linear.gather [hbm4b:s4+s2], $0x380, $0x38;
	[tilespmem:$0x7380] =	vst v63  }
0x9: {  	_ =	swait.ge [sflag:s3], $0x380  }
0xa: {  	s6 =	simm.s32 $0x80;
	[sflag:s3] =	ssyncset.done $0x0  }
0xb: {  	s7 =	simm.s32 $0x380;
	s5 =	sadd.s32 $0x6600, s20;
	[sflag:s3] =	ssyncadd.s32 $0xFFFFFC80  }
0xc: {  	[tilespmem:s7], [sflag:$0x1] =	stream.indirect.gather [hbm4b:s5+s6], $0x20, s2, s6, $0xb8;
	[tilespmem:$0x7380] =	vst v63  }
0xd: {  	s8 =	simm.s32 $0x1380;
	s9 =	simm.s32 $0x100;
	s10 =	simm.s32 $0x2380  }
0xe: {  	[tilespmem:s8], [sflag:$0x1] =	stream.indirect.gather [hbm4b:s5+s6], $0x20, s6, s6, $0xb8;
	[tilespmem:$0x7380] =	vst v63  }
0xf: {  	s11 =	simm.s32 $0x180;
	s12 =	simm.s32 $0x3380;
	s14 =	simm.s32 $0x4380  }
0x10: {  	[tilespmem:s10], [sflag:$0x1] =	stream.indirect.gather [hbm4b:s5+s6], $0x20, s9, s6, $0xb8;
	[tilespmem:$0x7380] =	vst v63  }
0x11: {  	s16 =	simm.s32 $0x5380;
	s17 =	simm.s32 $0x300;
	s22 =	ssub.s32 $0x2, s15  }
0x12: {  	[tilespmem:s12], [sflag:$0x1] =	stream.indirect.gather [hbm4b:s5+s6], $0x20, s11, s6, $0xb8;
	[tilespmem:$0x7380] =	vst v63  }
0x13: {  	s21 =	smul.u32 $0xE00, s13;
	s13 =	simm.s32 $0x200;
	s23 =	sshrl.u32 s22, $0x1  }
0x14: {  	[tilespmem:s14], [sflag:$0x1] =	stream.indirect.gather [hbm4b:s5+s6], $0x20, s13, s6, $0xb8;
	[tilespmem:$0x7380] =	vst v63  }
0x15: {  	s18 =	simm.s32 $0x6380;
	s15 =	simm.s32 $0x280;
	s31 =	ssub.s32 s22, s23  }
0x16: {  	[tilespmem:s16], [sflag:$0x1] =	stream.indirect.gather [hbm4b:s5+s6], $0x20, s15, s6, $0xb8;
	[tilespmem:$0x7380] =	vst v63  }
0x17: {  	s19 =	simm.s32 $0x1;
	s20 =	sadd.s32 s21, s20;
	s21 =	smax.u32 s31, $0x1  }
0x18: {  	[tilespmem:s18], [sflag:$0x1] =	stream.indirect.gather [hbm4b:s5+s6], $0x20, s17, s6, $0xb8;
	[tilespmem:$0x7380] =	vst v63  }
0x19: {  	p0 =	sne.s32 s21, $0x1;
	_ =	swait.ge [sflag:s19], $0x7000  }
.Ltmp0:
0x1a: {  	[sflag:s19] =	ssyncset.done $0x0;
	(pc) =	sbr.rel @!p0 .LBB2_2-.Ltmp0, $4  }
0x1b: {  	s20 =	sadd.s32 $0x3A000, s20;
	[sflag:s19] =	ssyncadd.s32 $0xFFFF9000  }
0x1c: {  	[hbm4b:s20+s2] =	stream.linear.scatter [tilespmem:s7], [sflag:$0x2], $0x7000, $0x38;
	[tilespmem:$0x7380] =	vst v63  }
0x1d: {  	_ =	swait.ge [sflag:s3], $0x7000  }
0x1e: {  	s21 =	sadd.s32 $0xFFFFFFFF, s21;
	[sflag:s3] =	ssyncset.done $0x0  }
.LBB2_1:
0x1f: {  	p0 =	sne.s32 s21, $0x1;
	s21 =	sadd.s32 $0xFFFFFFFF, s21;
	[sflag:s3] =	ssyncadd.s32 $0xFFFF9000  }
0x20: {  	[tilespmem:s2], [sflag:$0x2] =	stream.linear.gather [hbm4b:s4+s2], $0x380, $0x38;
	[tilespmem:$0x7380] =	vst v63  }
0x21: {  	_ =	swait.ge [sflag:s3], $0x380  }
0x22: {  	[sflag:s3] =	ssyncset.done $0x0  }
0x23: {  	[sflag:s3] =	ssyncadd.s32 $0xFFFFFC80  }
0x24: {  	[tilespmem:s7], [sflag:$0x1] =	stream.indirect.gather [hbm4b:s5+s6], $0x20, s2, s6, $0xb8;
	[tilespmem:$0x7380] =	vst v63  }
0x25: {  	_ = 	snop  }
0x26: {  	[tilespmem:s8], [sflag:$0x1] =	stream.indirect.gather [hbm4b:s5+s6], $0x20, s6, s6, $0xb8;
	[tilespmem:$0x7380] =	vst v63  }
0x27: {  	_ = 	snop  }
0x28: {  	[tilespmem:s10], [sflag:$0x1] =	stream.indirect.gather [hbm4b:s5+s6], $0x20, s9, s6, $0xb8;
	[tilespmem:$0x7380] =	vst v63  }
0x29: {  	_ = 	snop  }
0x2a: {  	[tilespmem:s12], [sflag:$0x1] =	stream.indirect.gather [hbm4b:s5+s6], $0x20, s11, s6, $0xb8;
	[tilespmem:$0x7380] =	vst v63  }
0x2b: {  	_ = 	snop  }
0x2c: {  	[tilespmem:s14], [sflag:$0x1] =	stream.indirect.gather [hbm4b:s5+s6], $0x20, s13, s6, $0xb8;
	[tilespmem:$0x7380] =	vst v63  }
0x2d: {  	_ = 	snop  }
0x2e: {  	[tilespmem:s16], [sflag:$0x1] =	stream.indirect.gather [hbm4b:s5+s6], $0x20, s15, s6, $0xb8;
	[tilespmem:$0x7380] =	vst v63  }
0x2f: {  	_ = 	snop  }
0x30: {  	[tilespmem:s18], [sflag:$0x1] =	stream.indirect.gather [hbm4b:s5+s6], $0x20, s17, s6, $0xb8;
	[tilespmem:$0x7380] =	vst v63  }
0x31: {  	_ =	swait.ge [sflag:s19], $0x7000  }
.Ltmp1:
0x32: {  	[sflag:s19] =	ssyncset.done $0x0;
	(pc) =	sbr.rel @p0 .LBB2_1-.Ltmp1, $4  }
0x33: {  	[sflag:s19] =	ssyncadd.s32 $0xFFFF9000  }
0x34: {  	[hbm4b:s20+s2] =	stream.linear.scatter [tilespmem:s7], [sflag:$0x2], $0x7000, $0x38;
	[tilespmem:$0x7380] =	vst v63  }
0x35: {  	_ =	swait.ge [sflag:s3], $0x7000  }
0x36: {  	[sflag:s3] =	ssyncset.done $0x0  }
.LBB2_2:
0x37: {  	[sflag:s3] =	ssyncadd.s32 $0xFFFF9000  }
0x38: {  	_ =	sfence.sel $0x180000  }
0x39: {  	[bflag:$0x0] =	sbarrier.arrive $0xFFFF  }
0x3a: {  	p0 =	sne.s32 s0, $0x0;
	_ =	strace $0x90000053  }
0x3b: {  	s0 =	sadd.s32 @!p0 $0x100000, s1;
	[bflag:$0x2] =	sbarrier.arrive $0xFFFF  }
0x3c: {  	[sflag:s0] =	ssyncadd.tile.s32 @!p0 $0x1;
	_ =	shalt  }
.Lfunc_end2:
_tile_overlayer_lowered:
.L_overlay_start_2:
0x3d: {  	(tag) =	ssettag $0x2  }
0x3e: {  	s0 =	rddreg [dreg:$0x0];
	s2 =	stileid.u32  }
0x3f: {  	s1 =	rddreg [dreg:$0x1];
	p0 =	sne.s32 s2, $0x0  }
0x40: {  	s3 =	rddreg [dreg:$0x2];
	[bflag:$0x3] =	sbarrier.arrive $0xFFFF;
	s2 =	simm.s32 @!p0 $0x1C02  }
0x41: {  	[timem:s3], [sflag:s2] =	dma.local @!p0 [hbm:s0], s1  }
0x42: {  	s0 =	simm.s32 @!p0 $0x2  }
0x43: {  	_ =	swait.ge @!p0 [sflag:s0], s1  }
0x44: {  	s1 =	ssub.s32 @!p0 $0x0, s1;
	[sflag:s0] =	ssyncset.done @!p0 $0x0  }
0x45: {  	[sflag:s0] =	ssyncadd.s32 @!p0 s1  }
0x46: {  	[bflag:$0x3] =	sbarrier.arrive $0xFFFF  }
0x47: {  	_ =	shalt  }

</sc_bundles>
